<compile_context>
chip_gen: v7x
topology: tpu7x:2x2x1
jax: 0.10.2.dev20260603
libtpu: 0.0.44.dev20260713+nightly
codegen_flags: <defaults>
</compile_context>

<pallas_src>
import functools

import jax
import jax.numpy as jnp
from jax import lax
from jax.experimental import pallas as pl
from jax.experimental.pallas import tpu as pltpu
from jax.experimental.pallas import tpu_sc as plsc

N = 10000
E = 320000
D = 128
DE = 4

NC = 2
NS = 16
NW = NC * NS
EW = E // NW
EB = 80
NBATCH = EW // EB
RPS = N // NS
CPAD = 640
NCNT = NS * CPAD
ZR = 25


def _prep_body(nodes_ref, ws_ref, wr_ref, ps_ref, pr_ref):
    x = nodes_ref[...]
    ps_ref[...] = jnp.dot(x, ws_ref[...], preferred_element_type=jnp.float32)
    pr_ref[...] = jnp.dot(x, wr_ref[...], preferred_element_type=jnp.float32)


def _edgebase_body(edges_ref, we_ref, b_ref, out_ref):
    out_ref[...] = (jnp.dot(edges_ref[...], we_ref[...],
                            preferred_element_type=jnp.float32)
                    + b_ref[...])


def _sc_body(ps_hbm, pr_hbm, eb_hbm, snd_hbm, rcv_hbm,
             acc_out, cnt_out,
             sidx, ridx, psv, prv, ebv, gv, onesv, zbuf, zcnt,
             acc_sh, cnt_sh, sem1, sem2):
    c = lax.axis_index("c")
    s = lax.axis_index("s")
    wid = s * NC + c

    zeros16 = jnp.zeros((16,), jnp.float32)
    ones16 = jnp.ones((16,), jnp.float32)

    def zfill_row(i, carry):
        for k in range(D // 16):
            zbuf[i, 16 * k:16 * (k + 1)] = zeros16
        return carry

    lax.fori_loop(0, ZR, zfill_row, 0)
    for k in range(CPAD // 16):
        zcnt[16 * k:16 * (k + 1)] = zeros16
    for k in range(EB // 16):
        onesv[16 * k:16 * (k + 1)] = ones16

    for i in range(RPS // ZR):
        pltpu.sync_copy(zbuf, acc_sh.at[pl.ds(s * RPS + i * ZR, ZR), :])
    pltpu.sync_copy(zcnt, cnt_sh.at[pl.ds(s * CPAD, CPAD)])
    plsc.subcore_barrier()

    base0 = wid * EW

    def batch(t, carry):
        base = base0 + t * EB
        pltpu.sync_copy(snd_hbm.at[pl.ds(base, EB)], sidx)
        pltpu.sync_copy(rcv_hbm.at[pl.ds(base, EB)], ridx)
        cp1 = pltpu.async_copy(ps_hbm.at[sidx], psv, sem1)
        cp2 = pltpu.async_copy(pr_hbm.at[ridx], prv, sem2)
        pltpu.sync_copy(eb_hbm.at[pl.ds(base, EB)], ebv)
        cp1.wait()
        cp2.wait()

        def edge(j, inner):
            r = []
            for k in range(D // 16):
                h = (psv[j, 16 * k:16 * (k + 1)]
                     + prv[j, 16 * k:16 * (k + 1)]
                     + ebv[j, 16 * k:16 * (k + 1)])
                r.append(jnp.maximum(h, 0.0))
            tot = ((r[0] + r[1]) + (r[2] + r[3])) + ((r[4] + r[5]) + (r[6] + r[7]))
            sq = [v * v for v in r]
            tot2 = ((sq[0] + sq[1]) + (sq[2] + sq[3])) + ((sq[4] + sq[5]) + (sq[6] + sq[7]))
            i16 = lax.iota(jnp.int32, 16)
            for kk in (8, 4, 2, 1):
                tot = tot + jnp.take(tot, i16 ^ kk)
                tot2 = tot2 + jnp.take(tot2, i16 ^ kk)
            muv = tot * (1.0 / D)
            xv = tot2 * (1.0 / D) - muv * muv + 1e-5
            y = lax.bitcast_convert_type(
                jnp.int32(0x5F3759DF) - (lax.bitcast_convert_type(xv, jnp.int32) >> 1),
                jnp.float32)
            for _ in range(3):
                y = y * (1.5 - 0.5 * xv * y * y)
            for k in range(D // 16):
                gv[j, 16 * k:16 * (k + 1)] = (r[k] - muv) * y
            return inner

        lax.fori_loop(0, EB, edge, 0)
        pltpu.sync_copy(gv, acc_sh.at[ridx], add=True)
        pltpu.sync_copy(onesv, cnt_sh.at[ridx], add=True)
        return carry

    lax.fori_loop(0, NBATCH, batch, 0)
    plsc.subcore_barrier()

    @pl.when(s == 0)
    def _copy_out():
        pltpu.sync_copy(acc_sh, acc_out.at[c])
        pltpu.sync_copy(cnt_sh, cnt_out.at[c])


def _post_body(acc2_ref, cnt2_ref, nodes_ref,
               scale_e_ref, offset_e_ref, we2_ref, be2_ref,
               wn1a_ref, wn1b_ref, bn1_ref, scale_n_ref, offset_n_ref,
               wn2_ref, bn2_ref, out_ref):
    acc = acc2_ref[0] + acc2_ref[1]
    cnt = cnt2_ref[0] + cnt2_ref[1]
    w2s = scale_e_ref[...].reshape(D, 1) * we2_ref[...]
    cvec = (jnp.dot(offset_e_ref[...].reshape(1, D), we2_ref[...],
                    preferred_element_type=jnp.float32)
            + be2_ref[...].reshape(1, D))
    agg = (jnp.dot(acc, w2s, preferred_element_type=jnp.float32)
           + cnt * cvec)
    g = (jnp.dot(nodes_ref[...], wn1a_ref[...], preferred_element_type=jnp.float32)
         + jnp.dot(agg, wn1b_ref[...], preferred_element_type=jnp.float32)
         + bn1_ref[...])
    g = jnp.maximum(g, 0.0)
    mu = jnp.mean(g, axis=-1, keepdims=True)
    var = jnp.mean(g * g, axis=-1, keepdims=True) - mu * mu
    y = (g - mu) * lax.rsqrt(var + 1e-5) * scale_n_ref[...] + offset_n_ref[...]
    out_ref[...] = (jnp.dot(y, wn2_ref[...], preferred_element_type=jnp.float32)
                    + bn2_ref[...])


def kernel(nodes, edges, senders, receivers,
           W_e1, b_e1, scale_e, offset_e, W_e2, b_e2,
           W_n1, b_n1, scale_n, offset_n, W_n2, b_n2):
    w_edge = W_e1[:DE]
    w_s = W_e1[DE:DE + D]
    w_r = W_e1[DE + D:]

    nb = 10
    rows = N // nb
    ps, pr = pl.pallas_call(
        _prep_body,
        grid=(nb,),
        in_specs=[
            pl.BlockSpec((rows, D), lambda i: (i, 0)),
            pl.BlockSpec((D, D), lambda i: (0, 0)),
            pl.BlockSpec((D, D), lambda i: (0, 0)),
        ],
        out_specs=[
            pl.BlockSpec((rows, D), lambda i: (i, 0)),
            pl.BlockSpec((rows, D), lambda i: (i, 0)),
        ],
        out_shape=[
            jax.ShapeDtypeStruct((N, D), jnp.float32),
            jax.ShapeDtypeStruct((N, D), jnp.float32),
        ],
    )(nodes, w_s, w_r)

    neb = 32
    erows = E // neb
    edgebase = pl.pallas_call(
        _edgebase_body,
        grid=(neb,),
        in_specs=[
            pl.BlockSpec((erows, DE), lambda i: (i, 0)),
            pl.BlockSpec((DE, D), lambda i: (0, 0)),
            pl.BlockSpec((1, D), lambda i: (0, 0)),
        ],
        out_specs=pl.BlockSpec((erows, D), lambda i: (i, 0)),
        out_shape=jax.ShapeDtypeStruct((E, D), jnp.float32),
    )(edges, w_edge, b_e1.reshape(1, D))

    mesh = plsc.VectorSubcoreMesh(core_axis_name="c", subcore_axis_name="s")
    acc2, cnt2 = pl.kernel(
        _sc_body,
        out_type=(
            jax.ShapeDtypeStruct((NC, N, D), jnp.float32),
            jax.ShapeDtypeStruct((NC, NCNT), jnp.float32),
        ),
        mesh=mesh,
        scratch_types=[
            pltpu.VMEM((EB,), jnp.int32),
            pltpu.VMEM((EB,), jnp.int32),
            pltpu.VMEM((EB, D), jnp.float32),
            pltpu.VMEM((EB, D), jnp.float32),
            pltpu.VMEM((EB, D), jnp.float32),
            pltpu.VMEM((EB, D), jnp.float32),
            pltpu.VMEM((EB,), jnp.float32),
            pltpu.VMEM((ZR, D), jnp.float32),
            pltpu.VMEM((CPAD,), jnp.float32),
            pltpu.VMEM_SHARED((N, D), jnp.float32),
            pltpu.VMEM_SHARED((NCNT,), jnp.float32),
            pltpu.SemaphoreType.DMA,
            pltpu.SemaphoreType.DMA,
        ],
    )(ps, pr, edgebase, senders, receivers)

    cnt2n = cnt2.reshape(NC, NCNT, 1)[:, :N, :]

    nb2 = 10
    rows2 = N // nb2
    out = pl.pallas_call(
        _post_body,
        grid=(nb2,),
        in_specs=[
            pl.BlockSpec((NC, rows2, D), lambda i: (0, i, 0)),
            pl.BlockSpec((NC, rows2, 1), lambda i: (0, i, 0)),
            pl.BlockSpec((rows2, D), lambda i: (i, 0)),
            pl.BlockSpec((D,), lambda i: (0,)),
            pl.BlockSpec((D,), lambda i: (0,)),
            pl.BlockSpec((D, D), lambda i: (0, 0)),
            pl.BlockSpec((D,), lambda i: (0,)),
            pl.BlockSpec((D, D), lambda i: (0, 0)),
            pl.BlockSpec((D, D), lambda i: (0, 0)),
            pl.BlockSpec((D,), lambda i: (0,)),
            pl.BlockSpec((D,), lambda i: (0,)),
            pl.BlockSpec((D,), lambda i: (0,)),
            pl.BlockSpec((D, D), lambda i: (0, 0)),
            pl.BlockSpec((D,), lambda i: (0,)),
        ],
        out_specs=pl.BlockSpec((rows2, D), lambda i: (i, 0)),
        out_shape=jax.ShapeDtypeStruct((N, D), jnp.float32),
    )(acc2, cnt2n, nodes,
      scale_e, offset_e, W_e2, b_e2,
      W_n1[:D], W_n1[D:], b_n1, scale_n, offset_n, W_n2, b_n2)
    return out

# --- scband reference (transcript-rebuilt; emitter-appended) ---
"""Pipeline reference for scband-encoder-gnn-50663434224157 (READ-ONLY COPY).

The authoritative reference and input builder live on the scoring server;
editing this copy changes nothing except your own understanding.
"""

import jax, jax.numpy as jnp
import numpy as np

N = 10000
E = 320000
D = 128
DE = 4
L = 128


def layer_norm(x, scale, offset):
    mu = jnp.mean(x, axis=-1, keepdims=True)
    var = jnp.var(x, axis=-1, keepdims=True)
    return (x - mu) * jax.lax.rsqrt(var + 1e-5) * scale + offset


def setup_inputs(seed: int = 0) -> dict:
    key = jax.random.key(seed)
    ks = jax.random.split(key, 10)
    nodes = jax.random.normal(ks[0], (N, D), dtype=jnp.float32)
    edges = jax.random.normal(ks[1], (E, DE), dtype=jnp.float32)
    senders = jax.random.randint(ks[2], (E,), 0, N, dtype=jnp.int32)
    receivers = jax.random.randint(ks[3], (E,), 0, N, dtype=jnp.int32)
    ein = DE + 2 * D
    nin = D + L
    W_e1 = jax.random.normal(ks[4], (ein, L), dtype=jnp.float32) / np.sqrt(ein)
    b_e1 = jnp.zeros((L,), dtype=jnp.float32)
    scale_e = jnp.ones((L,), dtype=jnp.float32)
    offset_e = jnp.zeros((L,), dtype=jnp.float32)
    W_e2 = jax.random.normal(ks[5], (L, L), dtype=jnp.float32) / np.sqrt(L)
    b_e2 = jnp.zeros((L,), dtype=jnp.float32)
    W_n1 = jax.random.normal(ks[6], (nin, L), dtype=jnp.float32) / np.sqrt(nin)
    b_n1 = jnp.zeros((L,), dtype=jnp.float32)
    scale_n = jnp.ones((L,), dtype=jnp.float32)
    offset_n = jnp.zeros((L,), dtype=jnp.float32)
    W_n2 = jax.random.normal(ks[7], (L, L), dtype=jnp.float32) / np.sqrt(L)
    b_n2 = jnp.zeros((L,), dtype=jnp.float32)
    return {
        "nodes": nodes, "edges": edges, "senders": senders, "receivers": receivers,
        "W_e1": W_e1, "b_e1": b_e1, "scale_e": scale_e, "offset_e": offset_e,
        "W_e2": W_e2, "b_e2": b_e2,
        "W_n1": W_n1, "b_n1": b_n1, "scale_n": scale_n, "offset_n": offset_n,
        "W_n2": W_n2, "b_n2": b_n2,
    }


def reference(nodes, edges, senders, receivers,
              W_e1, b_e1, scale_e, offset_e, W_e2, b_e2,
              W_n1, b_n1, scale_n, offset_n, W_n2, b_n2):
    # one message-passing step (EncoderGNN._message_passing_step)
    sender_feats = jnp.take(nodes, senders, axis=0)
    receiver_feats = jnp.take(nodes, receivers, axis=0)
    edge_inputs = jnp.concatenate([edges, sender_feats, receiver_feats], axis=1)
    h = jnp.dot(edge_inputs, W_e1) + b_e1
    h = jax.nn.relu(h)
    h = layer_norm(h, scale_e, offset_e)
    messages = jnp.dot(h, W_e2) + b_e2
    aggregated = jax.ops.segment_sum(messages, receivers, num_segments=N)
    node_inputs = jnp.concatenate([nodes, aggregated], axis=1)
    g = jnp.dot(node_inputs, W_n1) + b_n1
    g = jax.nn.relu(g)
    g = layer_norm(g, scale_n, offset_n)
    updated_nodes = jnp.dot(g, W_n2) + b_n2
    return updated_nodes

if __name__ == "__main__":
    import jax
    _d = setup_inputs()
    print(jax.jit(kernel)(*tuple(_d.values())))

</pallas_src>

<mosaic_0001>
#map = affine_map<(d0, d1) -> (0, 0)>
#map1 = affine_map<(d0, d1) -> (0)>
#map2 = affine_map<(d0, d1) -> (0, 0, 0)>
module attributes {stable_mosaic.version = 14 : i64} {
  func.func @_sc_body(%arg0: i32, %arg1: i32, %arg2: memref<10000x128xf32, #tpu.memory_space<hbm>>, %arg3: memref<10000x128xf32, #tpu.memory_space<hbm>>, %arg4: memref<320000x128xf32, #tpu.memory_space<hbm>>, %arg5: memref<320000xi32, #tpu.memory_space<hbm>>, %arg6: memref<320000xi32, #tpu.memory_space<hbm>>, %arg7: memref<2x10000x128xf32, #tpu.memory_space<hbm>>, %arg8: memref<2x10240xf32, #tpu.memory_space<hbm>>, %arg9: memref<80xi32, #tpu.memory_space<vmem>>, %arg10: memref<80xi32, #tpu.memory_space<vmem>>, %arg11: memref<80x128xf32, #tpu.memory_space<vmem>>, %arg12: memref<80x128xf32, #tpu.memory_space<vmem>>, %arg13: memref<80x128xf32, #tpu.memory_space<vmem>>, %arg14: memref<80x128xf32, #tpu.memory_space<vmem>>, %arg15: memref<80xf32, #tpu.memory_space<vmem>>, %arg16: memref<25x128xf32, #tpu.memory_space<vmem>>, %arg17: memref<640xf32, #tpu.memory_space<vmem>>, %arg18: memref<10000x128xf32, #tpu.memory_space<vmem_shared>>, %arg19: memref<10240xf32, #tpu.memory_space<vmem_shared>>, %arg20: memref<!tpu.dma_semaphore, #tpu.memory_space<semaphore_mem>>, %arg21: memref<!tpu.dma_semaphore, #tpu.memory_space<semaphore_mem>>) attributes {dimension_semantics = [#tpu.dimension_semantics<core_parallel>, #tpu.dimension_semantics<subcore_parallel>], iteration_bounds = array<i64: 2, 16>, scalar_prefetch = 0 : i64, scratch_operands = 13 : i64, tpu.core_type = #tpu.core_type<sc_vector_subcore>, window_params = [{transform_indices = #map}, {transform_indices = #map}, {transform_indices = #map}, {transform_indices = #map1}, {transform_indices = #map1}, {transform_indices = #map2}, {transform_indices = #map}]} {
    %mul3A = arith.constant 2 : i32
    %mul3A_0 = arith.muli %arg1, %mul3A : i32
    %add3A = arith.addi %mul3A_0, %arg0 : i32
    %broadcast_in_dim3A = arith.constant 0.000000e+00 : f32
    %broadcast_in_dim3A_1 = vector.broadcast %broadcast_in_dim3A : f32 to vector<16xf32>
    %broadcast_in_dim3A_2 = arith.constant 1.000000e+00 : f32
    %broadcast_in_dim3A_3 = vector.broadcast %broadcast_in_dim3A_2 : f32 to vector<16xf32>
    %scan3A = arith.constant 0 : i32
    %scan3A_4 = arith.constant 0 : i32
    %scan3A_5 = arith.constant 25 : i32
    %scan3A_6 = arith.addi %scan3A_4, %scan3A_5 : i32
    %scan3A_7 = arith.constant 1 : i32
    scf.for %scan3A_301 = %scan3A_4 to %scan3A_6 step %scan3A_7  : i32 {
      %swap3A_302 = arith.index_cast %scan3A_301 : i32 to index
      %swap3A_303 = arith.constant 0 : index
      %swap3A_304 = tpu.vector_load %arg16[%swap3A_302, %swap3A_303] {strides = array<i32>} : memref<25x128xf32, #tpu.memory_space<vmem>>, vector<1x16xf32>,
      %swap3A_305 = vector.shape_cast %swap3A_304 : vector<1x16xf32> to vector<16xf32>
      %swap3A_306 = vector.shape_cast %broadcast_in_dim3A_1 : vector<16xf32> to vector<1x16xf32>
      tpu.vector_store %arg16[%swap3A_302, %swap3A_303], %swap3A_306 {strides = array<i32>} : memref<25x128xf32, #tpu.memory_space<vmem>>, vector<1x16xf32>,
      %swap3A_307 = arith.index_cast %scan3A_301 : i32 to index
      %swap3A_308 = arith.constant 16 : index
      %swap3A_309 = tpu.vector_load %arg16[%swap3A_307, %swap3A_308] {strides = array<i32>} : memref<25x128xf32, #tpu.memory_space<vmem>>, vector<1x16xf32>,
      %swap3A_310 = vector.shape_cast %swap3A_309 : vector<1x16xf32> to vector<16xf32>
      %swap3A_311 = vector.shape_cast %broadcast_in_dim3A_1 : vector<16xf32> to vector<1x16xf32>
      tpu.vector_store %arg16[%swap3A_307, %swap3A_308], %swap3A_311 {strides = array<i32>} : memref<25x128xf32, #tpu.memory_space<vmem>>, vector<1x16xf32>,
      %swap3A_312 = arith.index_cast %scan3A_301 : i32 to index
      %swap3A_313 = arith.constant 32 : index
      %swap3A_314 = tpu.vector_load %arg16[%swap3A_312, %swap3A_313] {strides = array<i32>} : memref<25x128xf32, #tpu.memory_space<vmem>>, vector<1x16xf32>,
      %swap3A_315 = vector.shape_cast %swap3A_314 : vector<1x16xf32> to vector<16xf32>
      %swap3A_316 = vector.shape_cast %broadcast_in_dim3A_1 : vector<16xf32> to vector<1x16xf32>
      tpu.vector_store %arg16[%swap3A_312, %swap3A_313], %swap3A_316 {strides = array<i32>} : memref<25x128xf32, #tpu.memory_space<vmem>>, vector<1x16xf32>,
      %swap3A_317 = arith.index_cast %scan3A_301 : i32 to index
      %swap3A_318 = arith.constant 48 : index
      %swap3A_319 = tpu.vector_load %arg16[%swap3A_317, %swap3A_318] {strides = array<i32>} : memref<25x128xf32, #tpu.memory_space<vmem>>, vector<1x16xf32>,
      %swap3A_320 = vector.shape_cast %swap3A_319 : vector<1x16xf32> to vector<16xf32>
      %swap3A_321 = vector.shape_cast %broadcast_in_dim3A_1 : vector<16xf32> to vector<1x16xf32>
      tpu.vector_store %arg16[%swap3A_317, %swap3A_318], %swap3A_321 {strides = array<i32>} : memref<25x128xf32, #tpu.memory_space<vmem>>, vector<1x16xf32>,
      %swap3A_322 = arith.index_cast %scan3A_301 : i32 to index
      %swap3A_323 = arith.constant 64 : index
      %swap3A_324 = tpu.vector_load %arg16[%swap3A_322, %swap3A_323] {strides = array<i32>} : memref<25x128xf32, #tpu.memory_space<vmem>>, vector<1x16xf32>,
      %swap3A_325 = vector.shape_cast %swap3A_324 : vector<1x16xf32> to vector<16xf32>
      %swap3A_326 = vector.shape_cast %broadcast_in_dim3A_1 : vector<16xf32> to vector<1x16xf32>
      tpu.vector_store %arg16[%swap3A_322, %swap3A_323], %swap3A_326 {strides = array<i32>} : memref<25x128xf32, #tpu.memory_space<vmem>>, vector<1x16xf32>,
      %swap3A_327 = arith.index_cast %scan3A_301 : i32 to index
      %swap3A_328 = arith.constant 80 : index
      %swap3A_329 = tpu.vector_load %arg16[%swap3A_327, %swap3A_328] {strides = array<i32>} : memref<25x128xf32, #tpu.memory_space<vmem>>, vector<1x16xf32>,
      %swap3A_330 = vector.shape_cast %swap3A_329 : vector<1x16xf32> to vector<16xf32>
      %swap3A_331 = vector.shape_cast %broadcast_in_dim3A_1 : vector<16xf32> to vector<1x16xf32>
      tpu.vector_store %arg16[%swap3A_327, %swap3A_328], %swap3A_331 {strides = array<i32>} : memref<25x128xf32, #tpu.memory_space<vmem>>, vector<1x16xf32>,
      %swap3A_332 = arith.index_cast %scan3A_301 : i32 to index
      %swap3A_333 = arith.constant 96 : index
      %swap3A_334 = tpu.vector_load %arg16[%swap3A_332, %swap3A_333] {strides = array<i32>} : memref<25x128xf32, #tpu.memory_space<vmem>>, vector<1x16xf32>,
      %swap3A_335 = vector.shape_cast %swap3A_334 : vector<1x16xf32> to vector<16xf32>
      %swap3A_336 = vector.shape_cast %broadcast_in_dim3A_1 : vector<16xf32> to vector<1x16xf32>
      tpu.vector_store %arg16[%swap3A_332, %swap3A_333], %swap3A_336 {strides = array<i32>} : memref<25x128xf32, #tpu.memory_space<vmem>>, vector<1x16xf32>,
      %swap3A_337 = arith.index_cast %scan3A_301 : i32 to index
      %swap3A_338 = arith.constant 112 : index
      %swap3A_339 = tpu.vector_load %arg16[%swap3A_337, %swap3A_338] {strides = array<i32>} : memref<25x128xf32, #tpu.memory_space<vmem>>, vector<1x16xf32>,
      %swap3A_340 = vector.shape_cast %swap3A_339 : vector<1x16xf32> to vector<16xf32>
      %swap3A_341 = vector.shape_cast %broadcast_in_dim3A_1 : vector<16xf32> to vector<1x16xf32>
      tpu.vector_store %arg16[%swap3A_337, %swap3A_338], %swap3A_341 {strides = array<i32>} : memref<25x128xf32, #tpu.memory_space<vmem>>, vector<1x16xf32>,
    }
    %scan3A_8 = arith.constant 25 : i32
    %swap3A = arith.constant 0 : index
    %swap3A_9 = tpu.vector_load %arg17[%swap3A] {strides = array<i32>} : memref<640xf32, #tpu.memory_space<vmem>>, vector<16xf32>,
    %swap3A_10 = vector.shape_cast %swap3A_9 : vector<16xf32> to vector<16xf32>
    %swap3A_11 = vector.shape_cast %broadcast_in_dim3A_1 : vector<16xf32> to vector<16xf32>
    tpu.vector_store %arg17[%swap3A], %swap3A_11 {strides = array<i32>} : memref<640xf32, #tpu.memory_space<vmem>>, vector<16xf32>,
    %swap3A_12 = arith.constant 16 : index
    %swap3A_13 = tpu.vector_load %arg17[%swap3A_12] {strides = array<i32>} : memref<640xf32, #tpu.memory_space<vmem>>, vector<16xf32>,
    %swap3A_14 = vector.shape_cast %swap3A_13 : vector<16xf32> to vector<16xf32>
    %swap3A_15 = vector.shape_cast %broadcast_in_dim3A_1 : vector<16xf32> to vector<16xf32>
    tpu.vector_store %arg17[%swap3A_12], %swap3A_15 {strides = array<i32>} : memref<640xf32, #tpu.memory_space<vmem>>, vector<16xf32>,
    %swap3A_16 = arith.constant 32 : index
    %swap3A_17 = tpu.vector_load %arg17[%swap3A_16] {strides = array<i32>} : memref<640xf32, #tpu.memory_space<vmem>>, vector<16xf32>,
    %swap3A_18 = vector.shape_cast %swap3A_17 : vector<16xf32> to vector<16xf32>
    %swap3A_19 = vector.shape_cast %broadcast_in_dim3A_1 : vector<16xf32> to vector<16xf32>
    tpu.vector_store %arg17[%swap3A_16], %swap3A_19 {strides = array<i32>} : memref<640xf32, #tpu.memory_space<vmem>>, vector<16xf32>,
    %swap3A_20 = arith.constant 48 : index
    %swap3A_21 = tpu.vector_load %arg17[%swap3A_20] {strides = array<i32>} : memref<640xf32, #tpu.memory_space<vmem>>, vector<16xf32>,
    %swap3A_22 = vector.shape_cast %swap3A_21 : vector<16xf32> to vector<16xf32>
    %swap3A_23 = vector.shape_cast %broadcast_in_dim3A_1 : vector<16xf32> to vector<16xf32>
    tpu.vector_store %arg17[%swap3A_20], %swap3A_23 {strides = array<i32>} : memref<640xf32, #tpu.memory_space<vmem>>, vector<16xf32>,
    %swap3A_24 = arith.constant 64 : index
    %swap3A_25 = tpu.vector_load %arg17[%swap3A_24] {strides = array<i32>} : memref<640xf32, #tpu.memory_space<vmem>>, vector<16xf32>,
    %swap3A_26 = vector.shape_cast %swap3A_25 : vector<16xf32> to vector<16xf32>
    %swap3A_27 = vector.shape_cast %broadcast_in_dim3A_1 : vector<16xf32> to vector<16xf32>
    tpu.vector_store %arg17[%swap3A_24], %swap3A_27 {strides = array<i32>} : memref<640xf32, #tpu.memory_space<vmem>>, vector<16xf32>,
    %swap3A_28 = arith.constant 80 : index
    %swap3A_29 = tpu.vector_load %arg17[%swap3A_28] {strides = array<i32>} : memref<640xf32, #tpu.memory_space<vmem>>, vector<16xf32>,
    %swap3A_30 = vector.shape_cast %swap3A_29 : vector<16xf32> to vector<16xf32>
    %swap3A_31 = vector.shape_cast %broadcast_in_dim3A_1 : vector<16xf32> to vector<16xf32>
    tpu.vector_store %arg17[%swap3A_28], %swap3A_31 {strides = array<i32>} : memref<640xf32, #tpu.memory_space<vmem>>, vector<16xf32>,
    %swap3A_32 = arith.constant 96 : index
    %swap3A_33 = tpu.vector_load %arg17[%swap3A_32] {strides = array<i32>} : memref<640xf32, #tpu.memory_space<vmem>>, vector<16xf32>,
    %swap3A_34 = vector.shape_cast %swap3A_33 : vector<16xf32> to vector<16xf32>
    %swap3A_35 = vector.shape_cast %broadcast_in_dim3A_1 : vector<16xf32> to vector<16xf32>
    tpu.vector_store %arg17[%swap3A_32], %swap3A_35 {strides = array<i32>} : memref<640xf32, #tpu.memory_space<vmem>>, vector<16xf32>,
    %swap3A_36 = arith.constant 112 : index
    %swap3A_37 = tpu.vector_load %arg17[%swap3A_36] {strides = array<i32>} : memref<640xf32, #tpu.memory_space<vmem>>, vector<16xf32>,
    %swap3A_38 = vector.shape_cast %swap3A_37 : vector<16xf32> to vector<16xf32>
    %swap3A_39 = vector.shape_cast %broadcast_in_dim3A_1 : vector<16xf32> to vector<16xf32>
    tpu.vector_store %arg17[%swap3A_36], %swap3A_39 {strides = array<i32>} : memref<640xf32, #tpu.memory_space<vmem>>, vector<16xf32>,
    %swap3A_40 = arith.constant 128 : index
    %swap3A_41 = tpu.vector_load %arg17[%swap3A_40] {strides = array<i32>} : memref<640xf32, #tpu.memory_space<vmem>>, vector<16xf32>,
    %swap3A_42 = vector.shape_cast %swap3A_41 : vector<16xf32> to vector<16xf32>
    %swap3A_43 = vector.shape_cast %broadcast_in_dim3A_1 : vector<16xf32> to vector<16xf32>
    tpu.vector_store %arg17[%swap3A_40], %swap3A_43 {strides = array<i32>} : memref<640xf32, #tpu.memory_space<vmem>>, vector<16xf32>,
    %swap3A_44 = arith.constant 144 : index
    %swap3A_45 = tpu.vector_load %arg17[%swap3A_44] {strides = array<i32>} : memref<640xf32, #tpu.memory_space<vmem>>, vector<16xf32>,
    %swap3A_46 = vector.shape_cast %swap3A_45 : vector<16xf32> to vector<16xf32>
    %swap3A_47 = vector.shape_cast %broadcast_in_dim3A_1 : vector<16xf32> to vector<16xf32>
    tpu.vector_store %arg17[%swap3A_44], %swap3A_47 {strides = array<i32>} : memref<640xf32, #tpu.memory_space<vmem>>, vector<16xf32>,
    %swap3A_48 = arith.constant 160 : index
    %swap3A_49 = tpu.vector_load %arg17[%swap3A_48] {strides = array<i32>} : memref<640xf32, #tpu.memory_space<vmem>>, vector<16xf32>,
    %swap3A_50 = vector.shape_cast %swap3A_49 : vector<16xf32> to vector<16xf32>
    %swap3A_51 = vector.shape_cast %broadcast_in_dim3A_1 : vector<16xf32> to vector<16xf32>
    tpu.vector_store %arg17[%swap3A_48], %swap3A_51 {strides = array<i32>} : memref<640xf32, #tpu.memory_space<vmem>>, vector<16xf32>,
    %swap3A_52 = arith.constant 176 : index
    %swap3A_53 = tpu.vector_load %arg17[%swap3A_52] {strides = array<i32>} : memref<640xf32, #tpu.memory_space<vmem>>, vector<16xf32>,
    %swap3A_54 = vector.shape_cast %swap3A_53 : vector<16xf32> to vector<16xf32>
    %swap3A_55 = vector.shape_cast %broadcast_in_dim3A_1 : vector<16xf32> to vector<16xf32>
    tpu.vector_store %arg17[%swap3A_52], %swap3A_55 {strides = array<i32>} : memref<640xf32, #tpu.memory_space<vmem>>, vector<16xf32>,
    %swap3A_56 = arith.constant 192 : index
    %swap3A_57 = tpu.vector_load %arg17[%swap3A_56] {strides = array<i32>} : memref<640xf32, #tpu.memory_space<vmem>>, vector<16xf32>,
    %swap3A_58 = vector.shape_cast %swap3A_57 : vector<16xf32> to vector<16xf32>
    %swap3A_59 = vector.shape_cast %broadcast_in_dim3A_1 : vector<16xf32> to vector<16xf32>
    tpu.vector_store %arg17[%swap3A_56], %swap3A_59 {strides = array<i32>} : memref<640xf32, #tpu.memory_space<vmem>>, vector<16xf32>,
    %swap3A_60 = arith.constant 208 : index
    %swap3A_61 = tpu.vector_load %arg17[%swap3A_60] {strides = array<i32>} : memref<640xf32, #tpu.memory_space<vmem>>, vector<16xf32>,
    %swap3A_62 = vector.shape_cast %swap3A_61 : vector<16xf32> to vector<16xf32>
    %swap3A_63 = vector.shape_cast %broadcast_in_dim3A_1 : vector<16xf32> to vector<16xf32>
    tpu.vector_store %arg17[%swap3A_60], %swap3A_63 {strides = array<i32>} : memref<640xf32, #tpu.memory_space<vmem>>, vector<16xf32>,
    %swap3A_64 = arith.constant 224 : index
    %swap3A_65 = tpu.vector_load %arg17[%swap3A_64] {strides = array<i32>} : memref<640xf32, #tpu.memory_space<vmem>>, vector<16xf32>,
    %swap3A_66 = vector.shape_cast %swap3A_65 : vector<16xf32> to vector<16xf32>
    %swap3A_67 = vector.shape_cast %broadcast_in_dim3A_1 : vector<16xf32> to vector<16xf32>
    tpu.vector_store %arg17[%swap3A_64], %swap3A_67 {strides = array<i32>} : memref<640xf32, #tpu.memory_space<vmem>>, vector<16xf32>,
    %swap3A_68 = arith.constant 240 : index
    %swap3A_69 = tpu.vector_load %arg17[%swap3A_68] {strides = array<i32>} : memref<640xf32, #tpu.memory_space<vmem>>, vector<16xf32>,
    %swap3A_70 = vector.shape_cast %swap3A_69 : vector<16xf32> to vector<16xf32>
    %swap3A_71 = vector.shape_cast %broadcast_in_dim3A_1 : vector<16xf32> to vector<16xf32>
    tpu.vector_store %arg17[%swap3A_68], %swap3A_71 {strides = array<i32>} : memref<640xf32, #tpu.memory_space<vmem>>, vector<16xf32>,
    %swap3A_72 = arith.constant 256 : index
    %swap3A_73 = tpu.vector_load %arg17[%swap3A_72] {strides = array<i32>} : memref<640xf32, #tpu.memory_space<vmem>>, vector<16xf32>,
    %swap3A_74 = vector.shape_cast %swap3A_73 : vector<16xf32> to vector<16xf32>
    %swap3A_75 = vector.shape_cast %broadcast_in_dim3A_1 : vector<16xf32> to vector<16xf32>
    tpu.vector_store %arg17[%swap3A_72], %swap3A_75 {strides = array<i32>} : memref<640xf32, #tpu.memory_space<vmem>>, vector<16xf32>,
    %swap3A_76 = arith.constant 272 : index
    %swap3A_77 = tpu.vector_load %arg17[%swap3A_76] {strides = array<i32>} : memref<640xf32, #tpu.memory_space<vmem>>, vector<16xf32>,
    %swap3A_78 = vector.shape_cast %swap3A_77 : vector<16xf32> to vector<16xf32>
    %swap3A_79 = vector.shape_cast %broadcast_in_dim3A_1 : vector<16xf32> to vector<16xf32>
    tpu.vector_store %arg17[%swap3A_76], %swap3A_79 {strides = array<i32>} : memref<640xf32, #tpu.memory_space<vmem>>, vector<16xf32>,
    %swap3A_80 = arith.constant 288 : index
    %swap3A_81 = tpu.vector_load %arg17[%swap3A_80] {strides = array<i32>} : memref<640xf32, #tpu.memory_space<vmem>>, vector<16xf32>,
    %swap3A_82 = vector.shape_cast %swap3A_81 : vector<16xf32> to vector<16xf32>
    %swap3A_83 = vector.shape_cast %broadcast_in_dim3A_1 : vector<16xf32> to vector<16xf32>
    tpu.vector_store %arg17[%swap3A_80], %swap3A_83 {strides = array<i32>} : memref<640xf32, #tpu.memory_space<vmem>>, vector<16xf32>,
    %swap3A_84 = arith.constant 304 : index
    %swap3A_85 = tpu.vector_load %arg17[%swap3A_84] {strides = array<i32>} : memref<640xf32, #tpu.memory_space<vmem>>, vector<16xf32>,
    %swap3A_86 = vector.shape_cast %swap3A_85 : vector<16xf32> to vector<16xf32>
    %swap3A_87 = vector.shape_cast %broadcast_in_dim3A_1 : vector<16xf32> to vector<16xf32>
    tpu.vector_store %arg17[%swap3A_84], %swap3A_87 {strides = array<i32>} : memref<640xf32, #tpu.memory_space<vmem>>, vector<16xf32>,
    %swap3A_88 = arith.constant 320 : index
    %swap3A_89 = tpu.vector_load %arg17[%swap3A_88] {strides = array<i32>} : memref<640xf32, #tpu.memory_space<vmem>>, vector<16xf32>,
    %swap3A_90 = vector.shape_cast %swap3A_89 : vector<16xf32> to vector<16xf32>
    %swap3A_91 = vector.shape_cast %broadcast_in_dim3A_1 : vector<16xf32> to vector<16xf32>
    tpu.vector_store %arg17[%swap3A_88], %swap3A_91 {strides = array<i32>} : memref<640xf32, #tpu.memory_space<vmem>>, vector<16xf32>,
    %swap3A_92 = arith.constant 336 : index
    %swap3A_93 = tpu.vector_load %arg17[%swap3A_92] {strides = array<i32>} : memref<640xf32, #tpu.memory_space<vmem>>, vector<16xf32>,
    %swap3A_94 = vector.shape_cast %swap3A_93 : vector<16xf32> to vector<16xf32>
    %swap3A_95 = vector.shape_cast %broadcast_in_dim3A_1 : vector<16xf32> to vector<16xf32>
    tpu.vector_store %arg17[%swap3A_92], %swap3A_95 {strides = array<i32>} : memref<640xf32, #tpu.memory_space<vmem>>, vector<16xf32>,
    %swap3A_96 = arith.constant 352 : index
    %swap3A_97 = tpu.vector_load %arg17[%swap3A_96] {strides = array<i32>} : memref<640xf32, #tpu.memory_space<vmem>>, vector<16xf32>,
    %swap3A_98 = vector.shape_cast %swap3A_97 : vector<16xf32> to vector<16xf32>
    %swap3A_99 = vector.shape_cast %broadcast_in_dim3A_1 : vector<16xf32> to vector<16xf32>
    tpu.vector_store %arg17[%swap3A_96], %swap3A_99 {strides = array<i32>} : memref<640xf32, #tpu.memory_space<vmem>>, vector<16xf32>,
    %swap3A_100 = arith.constant 368 : index
    %swap3A_101 = tpu.vector_load %arg17[%swap3A_100] {strides = array<i32>} : memref<640xf32, #tpu.memory_space<vmem>>, vector<16xf32>,
    %swap3A_102 = vector.shape_cast %swap3A_101 : vector<16xf32> to vector<16xf32>
    %swap3A_103 = vector.shape_cast %broadcast_in_dim3A_1 : vector<16xf32> to vector<16xf32>
    tpu.vector_store %arg17[%swap3A_100], %swap3A_103 {strides = array<i32>} : memref<640xf32, #tpu.memory_space<vmem>>, vector<16xf32>,
    %swap3A_104 = arith.constant 384 : index
    %swap3A_105 = tpu.vector_load %arg17[%swap3A_104] {strides = array<i32>} : memref<640xf32, #tpu.memory_space<vmem>>, vector<16xf32>,
    %swap3A_106 = vector.shape_cast %swap3A_105 : vector<16xf32> to vector<16xf32>
    %swap3A_107 = vector.shape_cast %broadcast_in_dim3A_1 : vector<16xf32> to vector<16xf32>
    tpu.vector_store %arg17[%swap3A_104], %swap3A_107 {strides = array<i32>} : memref<640xf32, #tpu.memory_space<vmem>>, vector<16xf32>,
    %swap3A_108 = arith.constant 400 : index
    %swap3A_109 = tpu.vector_load %arg17[%swap3A_108] {strides = array<i32>} : memref<640xf32, #tpu.memory_space<vmem>>, vector<16xf32>,
    %swap3A_110 = vector.shape_cast %swap3A_109 : vector<16xf32> to vector<16xf32>
    %swap3A_111 = vector.shape_cast %broadcast_in_dim3A_1 : vector<16xf32> to vector<16xf32>
    tpu.vector_store %arg17[%swap3A_108], %swap3A_111 {strides = array<i32>} : memref<640xf32, #tpu.memory_space<vmem>>, vector<16xf32>,
    %swap3A_112 = arith.constant 416 : index
    %swap3A_113 = tpu.vector_load %arg17[%swap3A_112] {strides = array<i32>} : memref<640xf32, #tpu.memory_space<vmem>>, vector<16xf32>,
    %swap3A_114 = vector.shape_cast %swap3A_113 : vector<16xf32> to vector<16xf32>
    %swap3A_115 = vector.shape_cast %broadcast_in_dim3A_1 : vector<16xf32> to vector<16xf32>
    tpu.vector_store %arg17[%swap3A_112], %swap3A_115 {strides = array<i32>} : memref<640xf32, #tpu.memory_space<vmem>>, vector<16xf32>,
    %swap3A_116 = arith.constant 432 : index
    %swap3A_117 = tpu.vector_load %arg17[%swap3A_116] {strides = array<i32>} : memref<640xf32, #tpu.memory_space<vmem>>, vector<16xf32>,
    %swap3A_118 = vector.shape_cast %swap3A_117 : vector<16xf32> to vector<16xf32>
    %swap3A_119 = vector.shape_cast %broadcast_in_dim3A_1 : vector<16xf32> to vector<16xf32>
    tpu.vector_store %arg17[%swap3A_116], %swap3A_119 {strides = array<i32>} : memref<640xf32, #tpu.memory_space<vmem>>, vector<16xf32>,
    %swap3A_120 = arith.constant 448 : index
    %swap3A_121 = tpu.vector_load %arg17[%swap3A_120] {strides = array<i32>} : memref<640xf32, #tpu.memory_space<vmem>>, vector<16xf32>,
    %swap3A_122 = vector.shape_cast %swap3A_121 : vector<16xf32> to vector<16xf32>
    %swap3A_123 = vector.shape_cast %broadcast_in_dim3A_1 : vector<16xf32> to vector<16xf32>
    tpu.vector_store %arg17[%swap3A_120], %swap3A_123 {strides = array<i32>} : memref<640xf32, #tpu.memory_space<vmem>>, vector<16xf32>,
    %swap3A_124 = arith.constant 464 : index
    %swap3A_125 = tpu.vector_load %arg17[%swap3A_124] {strides = array<i32>} : memref<640xf32, #tpu.memory_space<vmem>>, vector<16xf32>,
    %swap3A_126 = vector.shape_cast %swap3A_125 : vector<16xf32> to vector<16xf32>
    %swap3A_127 = vector.shape_cast %broadcast_in_dim3A_1 : vector<16xf32> to vector<16xf32>
    tpu.vector_store %arg17[%swap3A_124], %swap3A_127 {strides = array<i32>} : memref<640xf32, #tpu.memory_space<vmem>>, vector<16xf32>,
    %swap3A_128 = arith.constant 480 : index
    %swap3A_129 = tpu.vector_load %arg17[%swap3A_128] {strides = array<i32>} : memref<640xf32, #tpu.memory_space<vmem>>, vector<16xf32>,
    %swap3A_130 = vector.shape_cast %swap3A_129 : vector<16xf32> to vector<16xf32>
    %swap3A_131 = vector.shape_cast %broadcast_in_dim3A_1 : vector<16xf32> to vector<16xf32>
    tpu.vector_store %arg17[%swap3A_128], %swap3A_131 {strides = array<i32>} : memref<640xf32, #tpu.memory_space<vmem>>, vector<16xf32>,
    %swap3A_132 = arith.constant 496 : index
    %swap3A_133 = tpu.vector_load %arg17[%swap3A_132] {strides = array<i32>} : memref<640xf32, #tpu.memory_space<vmem>>, vector<16xf32>,
    %swap3A_134 = vector.shape_cast %swap3A_133 : vector<16xf32> to vector<16xf32>
    %swap3A_135 = vector.shape_cast %broadcast_in_dim3A_1 : vector<16xf32> to vector<16xf32>
    tpu.vector_store %arg17[%swap3A_132], %swap3A_135 {strides = array<i32>} : memref<640xf32, #tpu.memory_space<vmem>>, vector<16xf32>,
    %swap3A_136 = arith.constant 512 : index
    %swap3A_137 = tpu.vector_load %arg17[%swap3A_136] {strides = array<i32>} : memref<640xf32, #tpu.memory_space<vmem>>, vector<16xf32>,
    %swap3A_138 = vector.shape_cast %swap3A_137 : vector<16xf32> to vector<16xf32>
    %swap3A_139 = vector.shape_cast %broadcast_in_dim3A_1 : vector<16xf32> to vector<16xf32>
    tpu.vector_store %arg17[%swap3A_136], %swap3A_139 {strides = array<i32>} : memref<640xf32, #tpu.memory_space<vmem>>, vector<16xf32>,
    %swap3A_140 = arith.constant 528 : index
    %swap3A_141 = tpu.vector_load %arg17[%swap3A_140] {strides = array<i32>} : memref<640xf32, #tpu.memory_space<vmem>>, vector<16xf32>,
    %swap3A_142 = vector.shape_cast %swap3A_141 : vector<16xf32> to vector<16xf32>
    %swap3A_143 = vector.shape_cast %broadcast_in_dim3A_1 : vector<16xf32> to vector<16xf32>
    tpu.vector_store %arg17[%swap3A_140], %swap3A_143 {strides = array<i32>} : memref<640xf32, #tpu.memory_space<vmem>>, vector<16xf32>,
    %swap3A_144 = arith.constant 544 : index
    %swap3A_145 = tpu.vector_load %arg17[%swap3A_144] {strides = array<i32>} : memref<640xf32, #tpu.memory_space<vmem>>, vector<16xf32>,
    %swap3A_146 = vector.shape_cast %swap3A_145 : vector<16xf32> to vector<16xf32>
    %swap3A_147 = vector.shape_cast %broadcast_in_dim3A_1 : vector<16xf32> to vector<16xf32>
    tpu.vector_store %arg17[%swap3A_144], %swap3A_147 {strides = array<i32>} : memref<640xf32, #tpu.memory_space<vmem>>, vector<16xf32>,
    %swap3A_148 = arith.constant 560 : index
    %swap3A_149 = tpu.vector_load %arg17[%swap3A_148] {strides = array<i32>} : memref<640xf32, #tpu.memory_space<vmem>>, vector<16xf32>,
    %swap3A_150 = vector.shape_cast %swap3A_149 : vector<16xf32> to vector<16xf32>
    %swap3A_151 = vector.shape_cast %broadcast_in_dim3A_1 : vector<16xf32> to vector<16xf32>
    tpu.vector_store %arg17[%swap3A_148], %swap3A_151 {strides = array<i32>} : memref<640xf32, #tpu.memory_space<vmem>>, vector<16xf32>,
    %swap3A_152 = arith.constant 576 : index
    %swap3A_153 = tpu.vector_load %arg17[%swap3A_152] {strides = array<i32>} : memref<640xf32, #tpu.memory_space<vmem>>, vector<16xf32>,
    %swap3A_154 = vector.shape_cast %swap3A_153 : vector<16xf32> to vector<16xf32>
    %swap3A_155 = vector.shape_cast %broadcast_in_dim3A_1 : vector<16xf32> to vector<16xf32>
    tpu.vector_store %arg17[%swap3A_152], %swap3A_155 {strides = array<i32>} : memref<640xf32, #tpu.memory_space<vmem>>, vector<16xf32>,
    %swap3A_156 = arith.constant 592 : index
    %swap3A_157 = tpu.vector_load %arg17[%swap3A_156] {strides = array<i32>} : memref<640xf32, #tpu.memory_space<vmem>>, vector<16xf32>,
    %swap3A_158 = vector.shape_cast %swap3A_157 : vector<16xf32> to vector<16xf32>
    %swap3A_159 = vector.shape_cast %broadcast_in_dim3A_1 : vector<16xf32> to vector<16xf32>
    tpu.vector_store %arg17[%swap3A_156], %swap3A_159 {strides = array<i32>} : memref<640xf32, #tpu.memory_space<vmem>>, vector<16xf32>,
    %swap3A_160 = arith.constant 608 : index
    %swap3A_161 = tpu.vector_load %arg17[%swap3A_160] {strides = array<i32>} : memref<640xf32, #tpu.memory_space<vmem>>, vector<16xf32>,
    %swap3A_162 = vector.shape_cast %swap3A_161 : vector<16xf32> to vector<16xf32>
    %swap3A_163 = vector.shape_cast %broadcast_in_dim3A_1 : vector<16xf32> to vector<16xf32>
    tpu.vector_store %arg17[%swap3A_160], %swap3A_163 {strides = array<i32>} : memref<640xf32, #tpu.memory_space<vmem>>, vector<16xf32>,
    %swap3A_164 = arith.constant 624 : index
    %swap3A_165 = tpu.vector_load %arg17[%swap3A_164] {strides = array<i32>} : memref<640xf32, #tpu.memory_space<vmem>>, vector<16xf32>,
    %swap3A_166 = vector.shape_cast %swap3A_165 : vector<16xf32> to vector<16xf32>
    %swap3A_167 = vector.shape_cast %broadcast_in_dim3A_1 : vector<16xf32> to vector<16xf32>
    tpu.vector_store %arg17[%swap3A_164], %swap3A_167 {strides = array<i32>} : memref<640xf32, #tpu.memory_space<vmem>>, vector<16xf32>,
    %swap3A_168 = arith.constant 0 : index
    %swap3A_169 = tpu.vector_load %arg15[%swap3A_168] {strides = array<i32>} : memref<80xf32, #tpu.memory_space<vmem>>, vector<16xf32>,
    %swap3A_170 = vector.shape_cast %swap3A_169 : vector<16xf32> to vector<16xf32>
    %swap3A_171 = vector.shape_cast %broadcast_in_dim3A_3 : vector<16xf32> to vector<16xf32>
    tpu.vector_store %arg15[%swap3A_168], %swap3A_171 {strides = array<i32>} : memref<80xf32, #tpu.memory_space<vmem>>, vector<16xf32>,
    %swap3A_172 = arith.constant 16 : index
    %swap3A_173 = tpu.vector_load %arg15[%swap3A_172] {strides = array<i32>} : memref<80xf32, #tpu.memory_space<vmem>>, vector<16xf32>,
    %swap3A_174 = vector.shape_cast %swap3A_173 : vector<16xf32> to vector<16xf32>
    %swap3A_175 = vector.shape_cast %broadcast_in_dim3A_3 : vector<16xf32> to vector<16xf32>
    tpu.vector_store %arg15[%swap3A_172], %swap3A_175 {strides = array<i32>} : memref<80xf32, #tpu.memory_space<vmem>>, vector<16xf32>,
    %swap3A_176 = arith.constant 32 : index
    %swap3A_177 = tpu.vector_load %arg15[%swap3A_176] {strides = array<i32>} : memref<80xf32, #tpu.memory_space<vmem>>, vector<16xf32>,
    %swap3A_178 = vector.shape_cast %swap3A_177 : vector<16xf32> to vector<16xf32>
    %swap3A_179 = vector.shape_cast %broadcast_in_dim3A_3 : vector<16xf32> to vector<16xf32>
    tpu.vector_store %arg15[%swap3A_176], %swap3A_179 {strides = array<i32>} : memref<80xf32, #tpu.memory_space<vmem>>, vector<16xf32>,
    %swap3A_180 = arith.constant 48 : index
    %swap3A_181 = tpu.vector_load %arg15[%swap3A_180] {strides = array<i32>} : memref<80xf32, #tpu.memory_space<vmem>>, vector<16xf32>,
    %swap3A_182 = vector.shape_cast %swap3A_181 : vector<16xf32> to vector<16xf32>
    %swap3A_183 = vector.shape_cast %broadcast_in_dim3A_3 : vector<16xf32> to vector<16xf32>
    tpu.vector_store %arg15[%swap3A_180], %swap3A_183 {strides = array<i32>} : memref<80xf32, #tpu.memory_space<vmem>>, vector<16xf32>,
    %swap3A_184 = arith.constant 64 : index
    %swap3A_185 = tpu.vector_load %arg15[%swap3A_184] {strides = array<i32>} : memref<80xf32, #tpu.memory_space<vmem>>, vector<16xf32>,
    %swap3A_186 = vector.shape_cast %swap3A_185 : vector<16xf32> to vector<16xf32>
    %swap3A_187 = vector.shape_cast %broadcast_in_dim3A_3 : vector<16xf32> to vector<16xf32>
    tpu.vector_store %arg15[%swap3A_184], %swap3A_187 {strides = array<i32>} : memref<80xf32, #tpu.memory_space<vmem>>, vector<16xf32>,
    %mul3A_188 = arith.constant 625 : i32
    %mul3A_189 = arith.muli %arg1, %mul3A_188 : i32
    %add3A_190 = arith.constant 0 : i32
    %add3A_191 = arith.addi %mul3A_189, %add3A_190 : i32
    "tpu.region"() ({
      %run_scoped3A = tpu.sem_alloc : memref<!tpu.dma_semaphore, #tpu.memory_space<semaphore_mem>>
      %dma_start3A = arith.constant 0 : i32
      %dma_start3A_301 = tpu.memref_slice %arg18[%add3A_191, %dma_start3A] : memref<10000x128xf32, #tpu.memory_space<vmem_shared>> -> memref<25x128xf32, #tpu.memory_space<vmem_shared>>
      %dma_start3A_302 = arith.constant 0 : i32
      %dma_start3A_303 = tpu.memref_slice %arg18[%add3A_191, %dma_start3A_302] : memref<10000x128xf32, #tpu.memory_space<vmem_shared>> -> memref<25x128xf32, #tpu.memory_space<vmem_shared>>
      tpu.enqueue_dma source(%arg16 : memref<25x128xf32, #tpu.memory_space<vmem>>) target(%dma_start3A_303 : memref<25x128xf32, #tpu.memory_space<vmem_shared>>) target_semaphore(%run_scoped3A : memref<!tpu.dma_semaphore, #tpu.memory_space<semaphore_mem>>)
      %dma_wait3A = arith.constant 0 : i32
      %dma_wait3A_304 = tpu.memref_slice %arg18[%add3A_191, %dma_wait3A] : memref<10000x128xf32, #tpu.memory_space<vmem_shared>> -> memref<25x128xf32, #tpu.memory_space<vmem_shared>>
      %dma_wait3A_305 = arith.constant 0 : i32
      %dma_wait3A_306 = tpu.memref_slice %arg18[%add3A_191, %dma_wait3A_305] : memref<10000x128xf32, #tpu.memory_space<vmem_shared>> -> memref<25x128xf32, #tpu.memory_space<vmem_shared>>
      tpu.wait_dma2 semaphore(%run_scoped3A : memref<!tpu.dma_semaphore, #tpu.memory_space<semaphore_mem>>) src(%arg16 : memref<25x128xf32, #tpu.memory_space<vmem>>) dst(%dma_wait3A_306 : memref<25x128xf32, #tpu.memory_space<vmem_shared>>)
      tpu.yield
    }) : () -> ()
    %mul3A_192 = arith.constant 625 : i32
    %mul3A_193 = arith.muli %arg1, %mul3A_192 : i32
    %add3A_194 = arith.constant 25 : i32
    %add3A_195 = arith.addi %mul3A_193, %add3A_194 : i32
    "tpu.region"() ({
      %run_scoped3A = tpu.sem_alloc : memref<!tpu.dma_semaphore, #tpu.memory_space<semaphore_mem>>
      %dma_start3A = arith.constant 0 : i32
      %dma_start3A_301 = tpu.memref_slice %arg18[%add3A_195, %dma_start3A] : memref<10000x128xf32, #tpu.memory_space<vmem_shared>> -> memref<25x128xf32, #tpu.memory_space<vmem_shared>>
      %dma_start3A_302 = arith.constant 0 : i32
      %dma_start3A_303 = tpu.memref_slice %arg18[%add3A_195, %dma_start3A_302] : memref<10000x128xf32, #tpu.memory_space<vmem_shared>> -> memref<25x128xf32, #tpu.memory_space<vmem_shared>>
      tpu.enqueue_dma source(%arg16 : memref<25x128xf32, #tpu.memory_space<vmem>>) target(%dma_start3A_303 : memref<25x128xf32, #tpu.memory_space<vmem_shared>>) target_semaphore(%run_scoped3A : memref<!tpu.dma_semaphore, #tpu.memory_space<semaphore_mem>>)
      %dma_wait3A = arith.constant 0 : i32
      %dma_wait3A_304 = tpu.memref_slice %arg18[%add3A_195, %dma_wait3A] : memref<10000x128xf32, #tpu.memory_space<vmem_shared>> -> memref<25x128xf32, #tpu.memory_space<vmem_shared>>
      %dma_wait3A_305 = arith.constant 0 : i32
      %dma_wait3A_306 = tpu.memref_slice %arg18[%add3A_195, %dma_wait3A_305] : memref<10000x128xf32, #tpu.memory_space<vmem_shared>> -> memref<25x128xf32, #tpu.memory_space<vmem_shared>>
      tpu.wait_dma2 semaphore(%run_scoped3A : memref<!tpu.dma_semaphore, #tpu.memory_space<semaphore_mem>>) src(%arg16 : memref<25x128xf32, #tpu.memory_space<vmem>>) dst(%dma_wait3A_306 : memref<25x128xf32, #tpu.memory_space<vmem_shared>>)
      tpu.yield
    }) : () -> ()
    %mul3A_196 = arith.constant 625 : i32
    %mul3A_197 = arith.muli %arg1, %mul3A_196 : i32
    %add3A_198 = arith.constant 50 : i32
    %add3A_199 = arith.addi %mul3A_197, %add3A_198 : i32
    "tpu.region"() ({
      %run_scoped3A = tpu.sem_alloc : memref<!tpu.dma_semaphore, #tpu.memory_space<semaphore_mem>>
      %dma_start3A = arith.constant 0 : i32
      %dma_start3A_301 = tpu.memref_slice %arg18[%add3A_199, %dma_start3A] : memref<10000x128xf32, #tpu.memory_space<vmem_shared>> -> memref<25x128xf32, #tpu.memory_space<vmem_shared>>
      %dma_start3A_302 = arith.constant 0 : i32
      %dma_start3A_303 = tpu.memref_slice %arg18[%add3A_199, %dma_start3A_302] : memref<10000x128xf32, #tpu.memory_space<vmem_shared>> -> memref<25x128xf32, #tpu.memory_space<vmem_shared>>
      tpu.enqueue_dma source(%arg16 : memref<25x128xf32, #tpu.memory_space<vmem>>) target(%dma_start3A_303 : memref<25x128xf32, #tpu.memory_space<vmem_shared>>) target_semaphore(%run_scoped3A : memref<!tpu.dma_semaphore, #tpu.memory_space<semaphore_mem>>)
      %dma_wait3A = arith.constant 0 : i32
      %dma_wait3A_304 = tpu.memref_slice %arg18[%add3A_199, %dma_wait3A] : memref<10000x128xf32, #tpu.memory_space<vmem_shared>> -> memref<25x128xf32, #tpu.memory_space<vmem_shared>>
      %dma_wait3A_305 = arith.constant 0 : i32
      %dma_wait3A_306 = tpu.memref_slice %arg18[%add3A_199, %dma_wait3A_305] : memref<10000x128xf32, #tpu.memory_space<vmem_shared>> -> memref<25x128xf32, #tpu.memory_space<vmem_shared>>
      tpu.wait_dma2 semaphore(%run_scoped3A : memref<!tpu.dma_semaphore, #tpu.memory_space<semaphore_mem>>) src(%arg16 : memref<25x128xf32, #tpu.memory_space<vmem>>) dst(%dma_wait3A_306 : memref<25x128xf32, #tpu.memory_space<vmem_shared>>)
      tpu.yield
    }) : () -> ()
    %mul3A_200 = arith.constant 625 : i32
    %mul3A_201 = arith.muli %arg1, %mul3A_200 : i32
    %add3A_202 = arith.constant 75 : i32
    %add3A_203 = arith.addi %mul3A_201, %add3A_202 : i32
    "tpu.region"() ({
      %run_scoped3A = tpu.sem_alloc : memref<!tpu.dma_semaphore, #tpu.memory_space<semaphore_mem>>
      %dma_start3A = arith.constant 0 : i32
      %dma_start3A_301 = tpu.memref_slice %arg18[%add3A_203, %dma_start3A] : memref<10000x128xf32, #tpu.memory_space<vmem_shared>> -> memref<25x128xf32, #tpu.memory_space<vmem_shared>>
      %dma_start3A_302 = arith.constant 0 : i32
      %dma_start3A_303 = tpu.memref_slice %arg18[%add3A_203, %dma_start3A_302] : memref<10000x128xf32, #tpu.memory_space<vmem_shared>> -> memref<25x128xf32, #tpu.memory_space<vmem_shared>>
      tpu.enqueue_dma source(%arg16 : memref<25x128xf32, #tpu.memory_space<vmem>>) target(%dma_start3A_303 : memref<25x128xf32, #tpu.memory_space<vmem_shared>>) target_semaphore(%run_scoped3A : memref<!tpu.dma_semaphore, #tpu.memory_space<semaphore_mem>>)
      %dma_wait3A = arith.constant 0 : i32
      %dma_wait3A_304 = tpu.memref_slice %arg18[%add3A_203, %dma_wait3A] : memref<10000x128xf32, #tpu.memory_space<vmem_shared>> -> memref<25x128xf32, #tpu.memory_space<vmem_shared>>
      %dma_wait3A_305 = arith.constant 0 : i32
      %dma_wait3A_306 = tpu.memref_slice %arg18[%add3A_203, %dma_wait3A_305] : memref<10000x128xf32, #tpu.memory_space<vmem_shared>> -> memref<25x128xf32, #tpu.memory_space<vmem_shared>>
      tpu.wait_dma2 semaphore(%run_scoped3A : memref<!tpu.dma_semaphore, #tpu.memory_space<semaphore_mem>>) src(%arg16 : memref<25x128xf32, #tpu.memory_space<vmem>>) dst(%dma_wait3A_306 : memref<25x128xf32, #tpu.memory_space<vmem_shared>>)
      tpu.yield
    }) : () -> ()
    %mul3A_204 = arith.constant 625 : i32
    %mul3A_205 = arith.muli %arg1, %mul3A_204 : i32
    %add3A_206 = arith.constant 100 : i32
    %add3A_207 = arith.addi %mul3A_205, %add3A_206 : i32
    "tpu.region"() ({
      %run_scoped3A = tpu.sem_alloc : memref<!tpu.dma_semaphore, #tpu.memory_space<semaphore_mem>>
      %dma_start3A = arith.constant 0 : i32
      %dma_start3A_301 = tpu.memref_slice %arg18[%add3A_207, %dma_start3A] : memref<10000x128xf32, #tpu.memory_space<vmem_shared>> -> memref<25x128xf32, #tpu.memory_space<vmem_shared>>
      %dma_start3A_302 = arith.constant 0 : i32
      %dma_start3A_303 = tpu.memref_slice %arg18[%add3A_207, %dma_start3A_302] : memref<10000x128xf32, #tpu.memory_space<vmem_shared>> -> memref<25x128xf32, #tpu.memory_space<vmem_shared>>
      tpu.enqueue_dma source(%arg16 : memref<25x128xf32, #tpu.memory_space<vmem>>) target(%dma_start3A_303 : memref<25x128xf32, #tpu.memory_space<vmem_shared>>) target_semaphore(%run_scoped3A : memref<!tpu.dma_semaphore, #tpu.memory_space<semaphore_mem>>)
      %dma_wait3A = arith.constant 0 : i32
      %dma_wait3A_304 = tpu.memref_slice %arg18[%add3A_207, %dma_wait3A] : memref<10000x128xf32, #tpu.memory_space<vmem_shared>> -> memref<25x128xf32, #tpu.memory_space<vmem_shared>>
      %dma_wait3A_305 = arith.constant 0 : i32
      %dma_wait3A_306 = tpu.memref_slice %arg18[%add3A_207, %dma_wait3A_305] : memref<10000x128xf32, #tpu.memory_space<vmem_shared>> -> memref<25x128xf32, #tpu.memory_space<vmem_shared>>
      tpu.wait_dma2 semaphore(%run_scoped3A : memref<!tpu.dma_semaphore, #tpu.memory_space<semaphore_mem>>) src(%arg16 : memref<25x128xf32, #tpu.memory_space<vmem>>) dst(%dma_wait3A_306 : memref<25x128xf32, #tpu.memory_space<vmem_shared>>)
      tpu.yield
    }) : () -> ()
    %mul3A_208 = arith.constant 625 : i32
    %mul3A_209 = arith.muli %arg1, %mul3A_208 : i32
    %add3A_210 = arith.constant 125 : i32
    %add3A_211 = arith.addi %mul3A_209, %add3A_210 : i32
    "tpu.region"() ({
      %run_scoped3A = tpu.sem_alloc : memref<!tpu.dma_semaphore, #tpu.memory_space<semaphore_mem>>
      %dma_start3A = arith.constant 0 : i32
      %dma_start3A_301 = tpu.memref_slice %arg18[%add3A_211, %dma_start3A] : memref<10000x128xf32, #tpu.memory_space<vmem_shared>> -> memref<25x128xf32, #tpu.memory_space<vmem_shared>>
      %dma_start3A_302 = arith.constant 0 : i32
      %dma_start3A_303 = tpu.memref_slice %arg18[%add3A_211, %dma_start3A_302] : memref<10000x128xf32, #tpu.memory_space<vmem_shared>> -> memref<25x128xf32, #tpu.memory_space<vmem_shared>>
      tpu.enqueue_dma source(%arg16 : memref<25x128xf32, #tpu.memory_space<vmem>>) target(%dma_start3A_303 : memref<25x128xf32, #tpu.memory_space<vmem_shared>>) target_semaphore(%run_scoped3A : memref<!tpu.dma_semaphore, #tpu.memory_space<semaphore_mem>>)
      %dma_wait3A = arith.constant 0 : i32
      %dma_wait3A_304 = tpu.memref_slice %arg18[%add3A_211, %dma_wait3A] : memref<10000x128xf32, #tpu.memory_space<vmem_shared>> -> memref<25x128xf32, #tpu.memory_space<vmem_shared>>
      %dma_wait3A_305 = arith.constant 0 : i32
      %dma_wait3A_306 = tpu.memref_slice %arg18[%add3A_211, %dma_wait3A_305] : memref<10000x128xf32, #tpu.memory_space<vmem_shared>> -> memref<25x128xf32, #tpu.memory_space<vmem_shared>>
      tpu.wait_dma2 semaphore(%run_scoped3A : memref<!tpu.dma_semaphore, #tpu.memory_space<semaphore_mem>>) src(%arg16 : memref<25x128xf32, #tpu.memory_space<vmem>>) dst(%dma_wait3A_306 : memref<25x128xf32, #tpu.memory_space<vmem_shared>>)
      tpu.yield
    }) : () -> ()
    %mul3A_212 = arith.constant 625 : i32
    %mul3A_213 = arith.muli %arg1, %mul3A_212 : i32
    %add3A_214 = arith.constant 150 : i32
    %add3A_215 = arith.addi %mul3A_213, %add3A_214 : i32
    "tpu.region"() ({
      %run_scoped3A = tpu.sem_alloc : memref<!tpu.dma_semaphore, #tpu.memory_space<semaphore_mem>>
      %dma_start3A = arith.constant 0 : i32
      %dma_start3A_301 = tpu.memref_slice %arg18[%add3A_215, %dma_start3A] : memref<10000x128xf32, #tpu.memory_space<vmem_shared>> -> memref<25x128xf32, #tpu.memory_space<vmem_shared>>
      %dma_start3A_302 = arith.constant 0 : i32
      %dma_start3A_303 = tpu.memref_slice %arg18[%add3A_215, %dma_start3A_302] : memref<10000x128xf32, #tpu.memory_space<vmem_shared>> -> memref<25x128xf32, #tpu.memory_space<vmem_shared>>
      tpu.enqueue_dma source(%arg16 : memref<25x128xf32, #tpu.memory_space<vmem>>) target(%dma_start3A_303 : memref<25x128xf32, #tpu.memory_space<vmem_shared>>) target_semaphore(%run_scoped3A : memref<!tpu.dma_semaphore, #tpu.memory_space<semaphore_mem>>)
      %dma_wait3A = arith.constant 0 : i32
      %dma_wait3A_304 = tpu.memref_slice %arg18[%add3A_215, %dma_wait3A] : memref<10000x128xf32, #tpu.memory_space<vmem_shared>> -> memref<25x128xf32, #tpu.memory_space<vmem_shared>>
      %dma_wait3A_305 = arith.constant 0 : i32
      %dma_wait3A_306 = tpu.memref_slice %arg18[%add3A_215, %dma_wait3A_305] : memref<10000x128xf32, #tpu.memory_space<vmem_shared>> -> memref<25x128xf32, #tpu.memory_space<vmem_shared>>
      tpu.wait_dma2 semaphore(%run_scoped3A : memref<!tpu.dma_semaphore, #tpu.memory_space<semaphore_mem>>) src(%arg16 : memref<25x128xf32, #tpu.memory_space<vmem>>) dst(%dma_wait3A_306 : memref<25x128xf32, #tpu.memory_space<vmem_shared>>)
      tpu.yield
    }) : () -> ()
    %mul3A_216 = arith.constant 625 : i32
    %mul3A_217 = arith.muli %arg1, %mul3A_216 : i32
    %add3A_218 = arith.constant 175 : i32
    %add3A_219 = arith.addi %mul3A_217, %add3A_218 : i32
    "tpu.region"() ({
      %run_scoped3A = tpu.sem_alloc : memref<!tpu.dma_semaphore, #tpu.memory_space<semaphore_mem>>
      %dma_start3A = arith.constant 0 : i32
      %dma_start3A_301 = tpu.memref_slice %arg18[%add3A_219, %dma_start3A] : memref<10000x128xf32, #tpu.memory_space<vmem_shared>> -> memref<25x128xf32, #tpu.memory_space<vmem_shared>>
      %dma_start3A_302 = arith.constant 0 : i32
      %dma_start3A_303 = tpu.memref_slice %arg18[%add3A_219, %dma_start3A_302] : memref<10000x128xf32, #tpu.memory_space<vmem_shared>> -> memref<25x128xf32, #tpu.memory_space<vmem_shared>>
      tpu.enqueue_dma source(%arg16 : memref<25x128xf32, #tpu.memory_space<vmem>>) target(%dma_start3A_303 : memref<25x128xf32, #tpu.memory_space<vmem_shared>>) target_semaphore(%run_scoped3A : memref<!tpu.dma_semaphore, #tpu.memory_space<semaphore_mem>>)
      %dma_wait3A = arith.constant 0 : i32
      %dma_wait3A_304 = tpu.memref_slice %arg18[%add3A_219, %dma_wait3A] : memref<10000x128xf32, #tpu.memory_space<vmem_shared>> -> memref<25x128xf32, #tpu.memory_space<vmem_shared>>
      %dma_wait3A_305 = arith.constant 0 : i32
      %dma_wait3A_306 = tpu.memref_slice %arg18[%add3A_219, %dma_wait3A_305] : memref<10000x128xf32, #tpu.memory_space<vmem_shared>> -> memref<25x128xf32, #tpu.memory_space<vmem_shared>>
      tpu.wait_dma2 semaphore(%run_scoped3A : memref<!tpu.dma_semaphore, #tpu.memory_space<semaphore_mem>>) src(%arg16 : memref<25x128xf32, #tpu.memory_space<vmem>>) dst(%dma_wait3A_306 : memref<25x128xf32, #tpu.memory_space<vmem_shared>>)
      tpu.yield
    }) : () -> ()
    %mul3A_220 = arith.constant 625 : i32
    %mul3A_221 = arith.muli %arg1, %mul3A_220 : i32
    %add3A_222 = arith.constant 200 : i32
    %add3A_223 = arith.addi %mul3A_221, %add3A_222 : i32
    "tpu.region"() ({
      %run_scoped3A = tpu.sem_alloc : memref<!tpu.dma_semaphore, #tpu.memory_space<semaphore_mem>>
      %dma_start3A = arith.constant 0 : i32
      %dma_start3A_301 = tpu.memref_slice %arg18[%add3A_223, %dma_start3A] : memref<10000x128xf32, #tpu.memory_space<vmem_shared>> -> memref<25x128xf32, #tpu.memory_space<vmem_shared>>
      %dma_start3A_302 = arith.constant 0 : i32
      %dma_start3A_303 = tpu.memref_slice %arg18[%add3A_223, %dma_start3A_302] : memref<10000x128xf32, #tpu.memory_space<vmem_shared>> -> memref<25x128xf32, #tpu.memory_space<vmem_shared>>
      tpu.enqueue_dma source(%arg16 : memref<25x128xf32, #tpu.memory_space<vmem>>) target(%dma_start3A_303 : memref<25x128xf32, #tpu.memory_space<vmem_shared>>) target_semaphore(%run_scoped3A : memref<!tpu.dma_semaphore, #tpu.memory_space<semaphore_mem>>)
      %dma_wait3A = arith.constant 0 : i32
      %dma_wait3A_304 = tpu.memref_slice %arg18[%add3A_223, %dma_wait3A] : memref<10000x128xf32, #tpu.memory_space<vmem_shared>> -> memref<25x128xf32, #tpu.memory_space<vmem_shared>>
      %dma_wait3A_305 = arith.constant 0 : i32
      %dma_wait3A_306 = tpu.memref_slice %arg18[%add3A_223, %dma_wait3A_305] : memref<10000x128xf32, #tpu.memory_space<vmem_shared>> -> memref<25x128xf32, #tpu.memory_space<vmem_shared>>
      tpu.wait_dma2 semaphore(%run_scoped3A : memref<!tpu.dma_semaphore, #tpu.memory_space<semaphore_mem>>) src(%arg16 : memref<25x128xf32, #tpu.memory_space<vmem>>) dst(%dma_wait3A_306 : memref<25x128xf32, #tpu.memory_space<vmem_shared>>)
      tpu.yield
    }) : () -> ()
    %mul3A_224 = arith.constant 625 : i32
    %mul3A_225 = arith.muli %arg1, %mul3A_224 : i32
    %add3A_226 = arith.constant 225 : i32
    %add3A_227 = arith.addi %mul3A_225, %add3A_226 : i32
    "tpu.region"() ({
      %run_scoped3A = tpu.sem_alloc : memref<!tpu.dma_semaphore, #tpu.memory_space<semaphore_mem>>
      %dma_start3A = arith.constant 0 : i32
      %dma_start3A_301 = tpu.memref_slice %arg18[%add3A_227, %dma_start3A] : memref<10000x128xf32, #tpu.memory_space<vmem_shared>> -> memref<25x128xf32, #tpu.memory_space<vmem_shared>>
      %dma_start3A_302 = arith.constant 0 : i32
      %dma_start3A_303 = tpu.memref_slice %arg18[%add3A_227, %dma_start3A_302] : memref<10000x128xf32, #tpu.memory_space<vmem_shared>> -> memref<25x128xf32, #tpu.memory_space<vmem_shared>>
      tpu.enqueue_dma source(%arg16 : memref<25x128xf32, #tpu.memory_space<vmem>>) target(%dma_start3A_303 : memref<25x128xf32, #tpu.memory_space<vmem_shared>>) target_semaphore(%run_scoped3A : memref<!tpu.dma_semaphore, #tpu.memory_space<semaphore_mem>>)
      %dma_wait3A = arith.constant 0 : i32
      %dma_wait3A_304 = tpu.memref_slice %arg18[%add3A_227, %dma_wait3A] : memref<10000x128xf32, #tpu.memory_space<vmem_shared>> -> memref<25x128xf32, #tpu.memory_space<vmem_shared>>
      %dma_wait3A_305 = arith.constant 0 : i32
      %dma_wait3A_306 = tpu.memref_slice %arg18[%add3A_227, %dma_wait3A_305] : memref<10000x128xf32, #tpu.memory_space<vmem_shared>> -> memref<25x128xf32, #tpu.memory_space<vmem_shared>>
      tpu.wait_dma2 semaphore(%run_scoped3A : memref<!tpu.dma_semaphore, #tpu.memory_space<semaphore_mem>>) src(%arg16 : memref<25x128xf32, #tpu.memory_space<vmem>>) dst(%dma_wait3A_306 : memref<25x128xf32, #tpu.memory_space<vmem_shared>>)
      tpu.yield
    }) : () -> ()
    %mul3A_228 = arith.constant 625 : i32
    %mul3A_229 = arith.muli %arg1, %mul3A_228 : i32
    %add3A_230 = arith.constant 250 : i32
    %add3A_231 = arith.addi %mul3A_229, %add3A_230 : i32
    "tpu.region"() ({
      %run_scoped3A = tpu.sem_alloc : memref<!tpu.dma_semaphore, #tpu.memory_space<semaphore_mem>>
      %dma_start3A = arith.constant 0 : i32
      %dma_start3A_301 = tpu.memref_slice %arg18[%add3A_231, %dma_start3A] : memref<10000x128xf32, #tpu.memory_space<vmem_shared>> -> memref<25x128xf32, #tpu.memory_space<vmem_shared>>
      %dma_start3A_302 = arith.constant 0 : i32
      %dma_start3A_303 = tpu.memref_slice %arg18[%add3A_231, %dma_start3A_302] : memref<10000x128xf32, #tpu.memory_space<vmem_shared>> -> memref<25x128xf32, #tpu.memory_space<vmem_shared>>
      tpu.enqueue_dma source(%arg16 : memref<25x128xf32, #tpu.memory_space<vmem>>) target(%dma_start3A_303 : memref<25x128xf32, #tpu.memory_space<vmem_shared>>) target_semaphore(%run_scoped3A : memref<!tpu.dma_semaphore, #tpu.memory_space<semaphore_mem>>)
      %dma_wait3A = arith.constant 0 : i32
      %dma_wait3A_304 = tpu.memref_slice %arg18[%add3A_231, %dma_wait3A] : memref<10000x128xf32, #tpu.memory_space<vmem_shared>> -> memref<25x128xf32, #tpu.memory_space<vmem_shared>>
      %dma_wait3A_305 = arith.constant 0 : i32
      %dma_wait3A_306 = tpu.memref_slice %arg18[%add3A_231, %dma_wait3A_305] : memref<10000x128xf32, #tpu.memory_space<vmem_shared>> -> memref<25x128xf32, #tpu.memory_space<vmem_shared>>
      tpu.wait_dma2 semaphore(%run_scoped3A : memref<!tpu.dma_semaphore, #tpu.memory_space<semaphore_mem>>) src(%arg16 : memref<25x128xf32, #tpu.memory_space<vmem>>) dst(%dma_wait3A_306 : memref<25x128xf32, #tpu.memory_space<vmem_shared>>)
      tpu.yield
    }) : () -> ()
    %mul3A_232 = arith.constant 625 : i32
    %mul3A_233 = arith.muli %arg1, %mul3A_232 : i32
    %add3A_234 = arith.constant 275 : i32
    %add3A_235 = arith.addi %mul3A_233, %add3A_234 : i32
    "tpu.region"() ({
      %run_scoped3A = tpu.sem_alloc : memref<!tpu.dma_semaphore, #tpu.memory_space<semaphore_mem>>
      %dma_start3A = arith.constant 0 : i32
      %dma_start3A_301 = tpu.memref_slice %arg18[%add3A_235, %dma_start3A] : memref<10000x128xf32, #tpu.memory_space<vmem_shared>> -> memref<25x128xf32, #tpu.memory_space<vmem_shared>>
      %dma_start3A_302 = arith.constant 0 : i32
      %dma_start3A_303 = tpu.memref_slice %arg18[%add3A_235, %dma_start3A_302] : memref<10000x128xf32, #tpu.memory_space<vmem_shared>> -> memref<25x128xf32, #tpu.memory_space<vmem_shared>>
      tpu.enqueue_dma source(%arg16 : memref<25x128xf32, #tpu.memory_space<vmem>>) target(%dma_start3A_303 : memref<25x128xf32, #tpu.memory_space<vmem_shared>>) target_semaphore(%run_scoped3A : memref<!tpu.dma_semaphore, #tpu.memory_space<semaphore_mem>>)
      %dma_wait3A = arith.constant 0 : i32
      %dma_wait3A_304 = tpu.memref_slice %arg18[%add3A_235, %dma_wait3A] : memref<10000x128xf32, #tpu.memory_space<vmem_shared>> -> memref<25x128xf32, #tpu.memory_space<vmem_shared>>
      %dma_wait3A_305 = arith.constant 0 : i32
      %dma_wait3A_306 = tpu.memref_slice %arg18[%add3A_235, %dma_wait3A_305] : memref<10000x128xf32, #tpu.memory_space<vmem_shared>> -> memref<25x128xf32, #tpu.memory_space<vmem_shared>>
      tpu.wait_dma2 semaphore(%run_scoped3A : memref<!tpu.dma_semaphore, #tpu.memory_space<semaphore_mem>>) src(%arg16 : memref<25x128xf32, #tpu.memory_space<vmem>>) dst(%dma_wait3A_306 : memref<25x128xf32, #tpu.memory_space<vmem_shared>>)
      tpu.yield
    }) : () -> ()
    %mul3A_236 = arith.constant 625 : i32
    %mul3A_237 = arith.muli %arg1, %mul3A_236 : i32
    %add3A_238 = arith.constant 300 : i32
    %add3A_239 = arith.addi %mul3A_237, %add3A_238 : i32
    "tpu.region"() ({
      %run_scoped3A = tpu.sem_alloc : memref<!tpu.dma_semaphore, #tpu.memory_space<semaphore_mem>>
      %dma_start3A = arith.constant 0 : i32
      %dma_start3A_301 = tpu.memref_slice %arg18[%add3A_239, %dma_start3A] : memref<10000x128xf32, #tpu.memory_space<vmem_shared>> -> memref<25x128xf32, #tpu.memory_space<vmem_shared>>
      %dma_start3A_302 = arith.constant 0 : i32
      %dma_start3A_303 = tpu.memref_slice %arg18[%add3A_239, %dma_start3A_302] : memref<10000x128xf32, #tpu.memory_space<vmem_shared>> -> memref<25x128xf32, #tpu.memory_space<vmem_shared>>
      tpu.enqueue_dma source(%arg16 : memref<25x128xf32, #tpu.memory_space<vmem>>) target(%dma_start3A_303 : memref<25x128xf32, #tpu.memory_space<vmem_shared>>) target_semaphore(%run_scoped3A : memref<!tpu.dma_semaphore, #tpu.memory_space<semaphore_mem>>)
      %dma_wait3A = arith.constant 0 : i32
      %dma_wait3A_304 = tpu.memref_slice %arg18[%add3A_239, %dma_wait3A] : memref<10000x128xf32, #tpu.memory_space<vmem_shared>> -> memref<25x128xf32, #tpu.memory_space<vmem_shared>>
      %dma_wait3A_305 = arith.constant 0 : i32
      %dma_wait3A_306 = tpu.memref_slice %arg18[%add3A_239, %dma_wait3A_305] : memref<10000x128xf32, #tpu.memory_space<vmem_shared>> -> memref<25x128xf32, #tpu.memory_space<vmem_shared>>
      tpu.wait_dma2 semaphore(%run_scoped3A : memref<!tpu.dma_semaphore, #tpu.memory_space<semaphore_mem>>) src(%arg16 : memref<25x128xf32, #tpu.memory_space<vmem>>) dst(%dma_wait3A_306 : memref<25x128xf32, #tpu.memory_space<vmem_shared>>)
      tpu.yield
    }) : () -> ()
    %mul3A_240 = arith.constant 625 : i32
    %mul3A_241 = arith.muli %arg1, %mul3A_240 : i32
    %add3A_242 = arith.constant 325 : i32
    %add3A_243 = arith.addi %mul3A_241, %add3A_242 : i32
    "tpu.region"() ({
      %run_scoped3A = tpu.sem_alloc : memref<!tpu.dma_semaphore, #tpu.memory_space<semaphore_mem>>
      %dma_start3A = arith.constant 0 : i32
      %dma_start3A_301 = tpu.memref_slice %arg18[%add3A_243, %dma_start3A] : memref<10000x128xf32, #tpu.memory_space<vmem_shared>> -> memref<25x128xf32, #tpu.memory_space<vmem_shared>>
      %dma_start3A_302 = arith.constant 0 : i32
      %dma_start3A_303 = tpu.memref_slice %arg18[%add3A_243, %dma_start3A_302] : memref<10000x128xf32, #tpu.memory_space<vmem_shared>> -> memref<25x128xf32, #tpu.memory_space<vmem_shared>>
      tpu.enqueue_dma source(%arg16 : memref<25x128xf32, #tpu.memory_space<vmem>>) target(%dma_start3A_303 : memref<25x128xf32, #tpu.memory_space<vmem_shared>>) target_semaphore(%run_scoped3A : memref<!tpu.dma_semaphore, #tpu.memory_space<semaphore_mem>>)
      %dma_wait3A = arith.constant 0 : i32
      %dma_wait3A_304 = tpu.memref_slice %arg18[%add3A_243, %dma_wait3A] : memref<10000x128xf32, #tpu.memory_space<vmem_shared>> -> memref<25x128xf32, #tpu.memory_space<vmem_shared>>
      %dma_wait3A_305 = arith.constant 0 : i32
      %dma_wait3A_306 = tpu.memref_slice %arg18[%add3A_243, %dma_wait3A_305] : memref<10000x128xf32, #tpu.memory_space<vmem_shared>> -> memref<25x128xf32, #tpu.memory_space<vmem_shared>>
      tpu.wait_dma2 semaphore(%run_scoped3A : memref<!tpu.dma_semaphore, #tpu.memory_space<semaphore_mem>>) src(%arg16 : memref<25x128xf32, #tpu.memory_space<vmem>>) dst(%dma_wait3A_306 : memref<25x128xf32, #tpu.memory_space<vmem_shared>>)
      tpu.yield
    }) : () -> ()
    %mul3A_244 = arith.constant 625 : i32
    %mul3A_245 = arith.muli %arg1, %mul3A_244 : i32
    %add3A_246 = arith.constant 350 : i32
    %add3A_247 = arith.addi %mul3A_245, %add3A_246 : i32
    "tpu.region"() ({
      %run_scoped3A = tpu.sem_alloc : memref<!tpu.dma_semaphore, #tpu.memory_space<semaphore_mem>>
      %dma_start3A = arith.constant 0 : i32
      %dma_start3A_301 = tpu.memref_slice %arg18[%add3A_247, %dma_start3A] : memref<10000x128xf32, #tpu.memory_space<vmem_shared>> -> memref<25x128xf32, #tpu.memory_space<vmem_shared>>
      %dma_start3A_302 = arith.constant 0 : i32
      %dma_start3A_303 = tpu.memref_slice %arg18[%add3A_247, %dma_start3A_302] : memref<10000x128xf32, #tpu.memory_space<vmem_shared>> -> memref<25x128xf32, #tpu.memory_space<vmem_shared>>
      tpu.enqueue_dma source(%arg16 : memref<25x128xf32, #tpu.memory_space<vmem>>) target(%dma_start3A_303 : memref<25x128xf32, #tpu.memory_space<vmem_shared>>) target_semaphore(%run_scoped3A : memref<!tpu.dma_semaphore, #tpu.memory_space<semaphore_mem>>)
      %dma_wait3A = arith.constant 0 : i32
      %dma_wait3A_304 = tpu.memref_slice %arg18[%add3A_247, %dma_wait3A] : memref<10000x128xf32, #tpu.memory_space<vmem_shared>> -> memref<25x128xf32, #tpu.memory_space<vmem_shared>>
      %dma_wait3A_305 = arith.constant 0 : i32
      %dma_wait3A_306 = tpu.memref_slice %arg18[%add3A_247, %dma_wait3A_305] : memref<10000x128xf32, #tpu.memory_space<vmem_shared>> -> memref<25x128xf32, #tpu.memory_space<vmem_shared>>
      tpu.wait_dma2 semaphore(%run_scoped3A : memref<!tpu.dma_semaphore, #tpu.memory_space<semaphore_mem>>) src(%arg16 : memref<25x128xf32, #tpu.memory_space<vmem>>) dst(%dma_wait3A_306 : memref<25x128xf32, #tpu.memory_space<vmem_shared>>)
      tpu.yield
    }) : () -> ()
    %mul3A_248 = arith.constant 625 : i32
    %mul3A_249 = arith.muli %arg1, %mul3A_248 : i32
    %add3A_250 = arith.constant 375 : i32
    %add3A_251 = arith.addi %mul3A_249, %add3A_250 : i32
    "tpu.region"() ({
      %run_scoped3A = tpu.sem_alloc : memref<!tpu.dma_semaphore, #tpu.memory_space<semaphore_mem>>
      %dma_start3A = arith.constant 0 : i32
      %dma_start3A_301 = tpu.memref_slice %arg18[%add3A_251, %dma_start3A] : memref<10000x128xf32, #tpu.memory_space<vmem_shared>> -> memref<25x128xf32, #tpu.memory_space<vmem_shared>>
      %dma_start3A_302 = arith.constant 0 : i32
      %dma_start3A_303 = tpu.memref_slice %arg18[%add3A_251, %dma_start3A_302] : memref<10000x128xf32, #tpu.memory_space<vmem_shared>> -> memref<25x128xf32, #tpu.memory_space<vmem_shared>>
      tpu.enqueue_dma source(%arg16 : memref<25x128xf32, #tpu.memory_space<vmem>>) target(%dma_start3A_303 : memref<25x128xf32, #tpu.memory_space<vmem_shared>>) target_semaphore(%run_scoped3A : memref<!tpu.dma_semaphore, #tpu.memory_space<semaphore_mem>>)
      %dma_wait3A = arith.constant 0 : i32
      %dma_wait3A_304 = tpu.memref_slice %arg18[%add3A_251, %dma_wait3A] : memref<10000x128xf32, #tpu.memory_space<vmem_shared>> -> memref<25x128xf32, #tpu.memory_space<vmem_shared>>
      %dma_wait3A_305 = arith.constant 0 : i32
      %dma_wait3A_306 = tpu.memref_slice %arg18[%add3A_251, %dma_wait3A_305] : memref<10000x128xf32, #tpu.memory_space<vmem_shared>> -> memref<25x128xf32, #tpu.memory_space<vmem_shared>>
      tpu.wait_dma2 semaphore(%run_scoped3A : memref<!tpu.dma_semaphore, #tpu.memory_space<semaphore_mem>>) src(%arg16 : memref<25x128xf32, #tpu.memory_space<vmem>>) dst(%dma_wait3A_306 : memref<25x128xf32, #tpu.memory_space<vmem_shared>>)
      tpu.yield
    }) : () -> ()
    %mul3A_252 = arith.constant 625 : i32
    %mul3A_253 = arith.muli %arg1, %mul3A_252 : i32
    %add3A_254 = arith.constant 400 : i32
    %add3A_255 = arith.addi %mul3A_253, %add3A_254 : i32
    "tpu.region"() ({
      %run_scoped3A = tpu.sem_alloc : memref<!tpu.dma_semaphore, #tpu.memory_space<semaphore_mem>>
      %dma_start3A = arith.constant 0 : i32
      %dma_start3A_301 = tpu.memref_slice %arg18[%add3A_255, %dma_start3A] : memref<10000x128xf32, #tpu.memory_space<vmem_shared>> -> memref<25x128xf32, #tpu.memory_space<vmem_shared>>
      %dma_start3A_302 = arith.constant 0 : i32
      %dma_start3A_303 = tpu.memref_slice %arg18[%add3A_255, %dma_start3A_302] : memref<10000x128xf32, #tpu.memory_space<vmem_shared>> -> memref<25x128xf32, #tpu.memory_space<vmem_shared>>
      tpu.enqueue_dma source(%arg16 : memref<25x128xf32, #tpu.memory_space<vmem>>) target(%dma_start3A_303 : memref<25x128xf32, #tpu.memory_space<vmem_shared>>) target_semaphore(%run_scoped3A : memref<!tpu.dma_semaphore, #tpu.memory_space<semaphore_mem>>)
      %dma_wait3A = arith.constant 0 : i32
      %dma_wait3A_304 = tpu.memref_slice %arg18[%add3A_255, %dma_wait3A] : memref<10000x128xf32, #tpu.memory_space<vmem_shared>> -> memref<25x128xf32, #tpu.memory_space<vmem_shared>>
      %dma_wait3A_305 = arith.constant 0 : i32
      %dma_wait3A_306 = tpu.memref_slice %arg18[%add3A_255, %dma_wait3A_305] : memref<10000x128xf32, #tpu.memory_space<vmem_shared>> -> memref<25x128xf32, #tpu.memory_space<vmem_shared>>
      tpu.wait_dma2 semaphore(%run_scoped3A : memref<!tpu.dma_semaphore, #tpu.memory_space<semaphore_mem>>) src(%arg16 : memref<25x128xf32, #tpu.memory_space<vmem>>) dst(%dma_wait3A_306 : memref<25x128xf32, #tpu.memory_space<vmem_shared>>)
      tpu.yield
    }) : () -> ()
    %mul3A_256 = arith.constant 625 : i32
    %mul3A_257 = arith.muli %arg1, %mul3A_256 : i32
    %add3A_258 = arith.constant 425 : i32
    %add3A_259 = arith.addi %mul3A_257, %add3A_258 : i32
    "tpu.region"() ({
      %run_scoped3A = tpu.sem_alloc : memref<!tpu.dma_semaphore, #tpu.memory_space<semaphore_mem>>
      %dma_start3A = arith.constant 0 : i32
      %dma_start3A_301 = tpu.memref_slice %arg18[%add3A_259, %dma_start3A] : memref<10000x128xf32, #tpu.memory_space<vmem_shared>> -> memref<25x128xf32, #tpu.memory_space<vmem_shared>>
      %dma_start3A_302 = arith.constant 0 : i32
      %dma_start3A_303 = tpu.memref_slice %arg18[%add3A_259, %dma_start3A_302] : memref<10000x128xf32, #tpu.memory_space<vmem_shared>> -> memref<25x128xf32, #tpu.memory_space<vmem_shared>>
      tpu.enqueue_dma source(%arg16 : memref<25x128xf32, #tpu.memory_space<vmem>>) target(%dma_start3A_303 : memref<25x128xf32, #tpu.memory_space<vmem_shared>>) target_semaphore(%run_scoped3A : memref<!tpu.dma_semaphore, #tpu.memory_space<semaphore_mem>>)
      %dma_wait3A = arith.constant 0 : i32
      %dma_wait3A_304 = tpu.memref_slice %arg18[%add3A_259, %dma_wait3A] : memref<10000x128xf32, #tpu.memory_space<vmem_shared>> -> memref<25x128xf32, #tpu.memory_space<vmem_shared>>
      %dma_wait3A_305 = arith.constant 0 : i32
      %dma_wait3A_306 = tpu.memref_slice %arg18[%add3A_259, %dma_wait3A_305] : memref<10000x128xf32, #tpu.memory_space<vmem_shared>> -> memref<25x128xf32, #tpu.memory_space<vmem_shared>>
      tpu.wait_dma2 semaphore(%run_scoped3A : memref<!tpu.dma_semaphore, #tpu.memory_space<semaphore_mem>>) src(%arg16 : memref<25x128xf32, #tpu.memory_space<vmem>>) dst(%dma_wait3A_306 : memref<25x128xf32, #tpu.memory_space<vmem_shared>>)
      tpu.yield
    }) : () -> ()
    %mul3A_260 = arith.constant 625 : i32
    %mul3A_261 = arith.muli %arg1, %mul3A_260 : i32
    %add3A_262 = arith.constant 450 : i32
    %add3A_263 = arith.addi %mul3A_261, %add3A_262 : i32
    "tpu.region"() ({
      %run_scoped3A = tpu.sem_alloc : memref<!tpu.dma_semaphore, #tpu.memory_space<semaphore_mem>>
      %dma_start3A = arith.constant 0 : i32
      %dma_start3A_301 = tpu.memref_slice %arg18[%add3A_263, %dma_start3A] : memref<10000x128xf32, #tpu.memory_space<vmem_shared>> -> memref<25x128xf32, #tpu.memory_space<vmem_shared>>
      %dma_start3A_302 = arith.constant 0 : i32
      %dma_start3A_303 = tpu.memref_slice %arg18[%add3A_263, %dma_start3A_302] : memref<10000x128xf32, #tpu.memory_space<vmem_shared>> -> memref<25x128xf32, #tpu.memory_space<vmem_shared>>
      tpu.enqueue_dma source(%arg16 : memref<25x128xf32, #tpu.memory_space<vmem>>) target(%dma_start3A_303 : memref<25x128xf32, #tpu.memory_space<vmem_shared>>) target_semaphore(%run_scoped3A : memref<!tpu.dma_semaphore, #tpu.memory_space<semaphore_mem>>)
      %dma_wait3A = arith.constant 0 : i32
      %dma_wait3A_304 = tpu.memref_slice %arg18[%add3A_263, %dma_wait3A] : memref<10000x128xf32, #tpu.memory_space<vmem_shared>> -> memref<25x128xf32, #tpu.memory_space<vmem_shared>>
      %dma_wait3A_305 = arith.constant 0 : i32
      %dma_wait3A_306 = tpu.memref_slice %arg18[%add3A_263, %dma_wait3A_305] : memref<10000x128xf32, #tpu.memory_space<vmem_shared>> -> memref<25x128xf32, #tpu.memory_space<vmem_shared>>
      tpu.wait_dma2 semaphore(%run_scoped3A : memref<!tpu.dma_semaphore, #tpu.memory_space<semaphore_mem>>) src(%arg16 : memref<25x128xf32, #tpu.memory_space<vmem>>) dst(%dma_wait3A_306 : memref<25x128xf32, #tpu.memory_space<vmem_shared>>)
      tpu.yield
    }) : () -> ()
    %mul3A_264 = arith.constant 625 : i32
    %mul3A_265 = arith.muli %arg1, %mul3A_264 : i32
    %add3A_266 = arith.constant 475 : i32
    %add3A_267 = arith.addi %mul3A_265, %add3A_266 : i32
    "tpu.region"() ({
      %run_scoped3A = tpu.sem_alloc : memref<!tpu.dma_semaphore, #tpu.memory_space<semaphore_mem>>
      %dma_start3A = arith.constant 0 : i32
      %dma_start3A_301 = tpu.memref_slice %arg18[%add3A_267, %dma_start3A] : memref<10000x128xf32, #tpu.memory_space<vmem_shared>> -> memref<25x128xf32, #tpu.memory_space<vmem_shared>>
      %dma_start3A_302 = arith.constant 0 : i32
      %dma_start3A_303 = tpu.memref_slice %arg18[%add3A_267, %dma_start3A_302] : memref<10000x128xf32, #tpu.memory_space<vmem_shared>> -> memref<25x128xf32, #tpu.memory_space<vmem_shared>>
      tpu.enqueue_dma source(%arg16 : memref<25x128xf32, #tpu.memory_space<vmem>>) target(%dma_start3A_303 : memref<25x128xf32, #tpu.memory_space<vmem_shared>>) target_semaphore(%run_scoped3A : memref<!tpu.dma_semaphore, #tpu.memory_space<semaphore_mem>>)
      %dma_wait3A = arith.constant 0 : i32
      %dma_wait3A_304 = tpu.memref_slice %arg18[%add3A_267, %dma_wait3A] : memref<10000x128xf32, #tpu.memory_space<vmem_shared>> -> memref<25x128xf32, #tpu.memory_space<vmem_shared>>
      %dma_wait3A_305 = arith.constant 0 : i32
      %dma_wait3A_306 = tpu.memref_slice %arg18[%add3A_267, %dma_wait3A_305] : memref<10000x128xf32, #tpu.memory_space<vmem_shared>> -> memref<25x128xf32, #tpu.memory_space<vmem_shared>>
      tpu.wait_dma2 semaphore(%run_scoped3A : memref<!tpu.dma_semaphore, #tpu.memory_space<semaphore_mem>>) src(%arg16 : memref<25x128xf32, #tpu.memory_space<vmem>>) dst(%dma_wait3A_306 : memref<25x128xf32, #tpu.memory_space<vmem_shared>>)
      tpu.yield
    }) : () -> ()
    %mul3A_268 = arith.constant 625 : i32
    %mul3A_269 = arith.muli %arg1, %mul3A_268 : i32
    %add3A_270 = arith.constant 500 : i32
    %add3A_271 = arith.addi %mul3A_269, %add3A_270 : i32
    "tpu.region"() ({
      %run_scoped3A = tpu.sem_alloc : memref<!tpu.dma_semaphore, #tpu.memory_space<semaphore_mem>>
      %dma_start3A = arith.constant 0 : i32
      %dma_start3A_301 = tpu.memref_slice %arg18[%add3A_271, %dma_start3A] : memref<10000x128xf32, #tpu.memory_space<vmem_shared>> -> memref<25x128xf32, #tpu.memory_space<vmem_shared>>
      %dma_start3A_302 = arith.constant 0 : i32
      %dma_start3A_303 = tpu.memref_slice %arg18[%add3A_271, %dma_start3A_302] : memref<10000x128xf32, #tpu.memory_space<vmem_shared>> -> memref<25x128xf32, #tpu.memory_space<vmem_shared>>
      tpu.enqueue_dma source(%arg16 : memref<25x128xf32, #tpu.memory_space<vmem>>) target(%dma_start3A_303 : memref<25x128xf32, #tpu.memory_space<vmem_shared>>) target_semaphore(%run_scoped3A : memref<!tpu.dma_semaphore, #tpu.memory_space<semaphore_mem>>)
      %dma_wait3A = arith.constant 0 : i32
      %dma_wait3A_304 = tpu.memref_slice %arg18[%add3A_271, %dma_wait3A] : memref<10000x128xf32, #tpu.memory_space<vmem_shared>> -> memref<25x128xf32, #tpu.memory_space<vmem_shared>>
      %dma_wait3A_305 = arith.constant 0 : i32
      %dma_wait3A_306 = tpu.memref_slice %arg18[%add3A_271, %dma_wait3A_305] : memref<10000x128xf32, #tpu.memory_space<vmem_shared>> -> memref<25x128xf32, #tpu.memory_space<vmem_shared>>
      tpu.wait_dma2 semaphore(%run_scoped3A : memref<!tpu.dma_semaphore, #tpu.memory_space<semaphore_mem>>) src(%arg16 : memref<25x128xf32, #tpu.memory_space<vmem>>) dst(%dma_wait3A_306 : memref<25x128xf32, #tpu.memory_space<vmem_shared>>)
      tpu.yield
    }) : () -> ()
    %mul3A_272 = arith.constant 625 : i32
    %mul3A_273 = arith.muli %arg1, %mul3A_272 : i32
    %add3A_274 = arith.constant 525 : i32
    %add3A_275 = arith.addi %mul3A_273, %add3A_274 : i32
    "tpu.region"() ({
      %run_scoped3A = tpu.sem_alloc : memref<!tpu.dma_semaphore, #tpu.memory_space<semaphore_mem>>
      %dma_start3A = arith.constant 0 : i32
      %dma_start3A_301 = tpu.memref_slice %arg18[%add3A_275, %dma_start3A] : memref<10000x128xf32, #tpu.memory_space<vmem_shared>> -> memref<25x128xf32, #tpu.memory_space<vmem_shared>>
      %dma_start3A_302 = arith.constant 0 : i32
      %dma_start3A_303 = tpu.memref_slice %arg18[%add3A_275, %dma_start3A_302] : memref<10000x128xf32, #tpu.memory_space<vmem_shared>> -> memref<25x128xf32, #tpu.memory_space<vmem_shared>>
      tpu.enqueue_dma source(%arg16 : memref<25x128xf32, #tpu.memory_space<vmem>>) target(%dma_start3A_303 : memref<25x128xf32, #tpu.memory_space<vmem_shared>>) target_semaphore(%run_scoped3A : memref<!tpu.dma_semaphore, #tpu.memory_space<semaphore_mem>>)
      %dma_wait3A = arith.constant 0 : i32
      %dma_wait3A_304 = tpu.memref_slice %arg18[%add3A_275, %dma_wait3A] : memref<10000x128xf32, #tpu.memory_space<vmem_shared>> -> memref<25x128xf32, #tpu.memory_space<vmem_shared>>
      %dma_wait3A_305 = arith.constant 0 : i32
      %dma_wait3A_306 = tpu.memref_slice %arg18[%add3A_275, %dma_wait3A_305] : memref<10000x128xf32, #tpu.memory_space<vmem_shared>> -> memref<25x128xf32, #tpu.memory_space<vmem_shared>>
      tpu.wait_dma2 semaphore(%run_scoped3A : memref<!tpu.dma_semaphore, #tpu.memory_space<semaphore_mem>>) src(%arg16 : memref<25x128xf32, #tpu.memory_space<vmem>>) dst(%dma_wait3A_306 : memref<25x128xf32, #tpu.memory_space<vmem_shared>>)
      tpu.yield
    }) : () -> ()
    %mul3A_276 = arith.constant 625 : i32
    %mul3A_277 = arith.muli %arg1, %mul3A_276 : i32
    %add3A_278 = arith.constant 550 : i32
    %add3A_279 = arith.addi %mul3A_277, %add3A_278 : i32
    "tpu.region"() ({
      %run_scoped3A = tpu.sem_alloc : memref<!tpu.dma_semaphore, #tpu.memory_space<semaphore_mem>>
      %dma_start3A = arith.constant 0 : i32
      %dma_start3A_301 = tpu.memref_slice %arg18[%add3A_279, %dma_start3A] : memref<10000x128xf32, #tpu.memory_space<vmem_shared>> -> memref<25x128xf32, #tpu.memory_space<vmem_shared>>
      %dma_start3A_302 = arith.constant 0 : i32
      %dma_start3A_303 = tpu.memref_slice %arg18[%add3A_279, %dma_start3A_302] : memref<10000x128xf32, #tpu.memory_space<vmem_shared>> -> memref<25x128xf32, #tpu.memory_space<vmem_shared>>
      tpu.enqueue_dma source(%arg16 : memref<25x128xf32, #tpu.memory_space<vmem>>) target(%dma_start3A_303 : memref<25x128xf32, #tpu.memory_space<vmem_shared>>) target_semaphore(%run_scoped3A : memref<!tpu.dma_semaphore, #tpu.memory_space<semaphore_mem>>)
      %dma_wait3A = arith.constant 0 : i32
      %dma_wait3A_304 = tpu.memref_slice %arg18[%add3A_279, %dma_wait3A] : memref<10000x128xf32, #tpu.memory_space<vmem_shared>> -> memref<25x128xf32, #tpu.memory_space<vmem_shared>>
      %dma_wait3A_305 = arith.constant 0 : i32
      %dma_wait3A_306 = tpu.memref_slice %arg18[%add3A_279, %dma_wait3A_305] : memref<10000x128xf32, #tpu.memory_space<vmem_shared>> -> memref<25x128xf32, #tpu.memory_space<vmem_shared>>
      tpu.wait_dma2 semaphore(%run_scoped3A : memref<!tpu.dma_semaphore, #tpu.memory_space<semaphore_mem>>) src(%arg16 : memref<25x128xf32, #tpu.memory_space<vmem>>) dst(%dma_wait3A_306 : memref<25x128xf32, #tpu.memory_space<vmem_shared>>)
      tpu.yield
    }) : () -> ()
    %mul3A_280 = arith.constant 625 : i32
    %mul3A_281 = arith.muli %arg1, %mul3A_280 : i32
    %add3A_282 = arith.constant 575 : i32
    %add3A_283 = arith.addi %mul3A_281, %add3A_282 : i32
    "tpu.region"() ({
      %run_scoped3A = tpu.sem_alloc : memref<!tpu.dma_semaphore, #tpu.memory_space<semaphore_mem>>
      %dma_start3A = arith.constant 0 : i32
      %dma_start3A_301 = tpu.memref_slice %arg18[%add3A_283, %dma_start3A] : memref<10000x128xf32, #tpu.memory_space<vmem_shared>> -> memref<25x128xf32, #tpu.memory_space<vmem_shared>>
      %dma_start3A_302 = arith.constant 0 : i32
      %dma_start3A_303 = tpu.memref_slice %arg18[%add3A_283, %dma_start3A_302] : memref<10000x128xf32, #tpu.memory_space<vmem_shared>> -> memref<25x128xf32, #tpu.memory_space<vmem_shared>>
      tpu.enqueue_dma source(%arg16 : memref<25x128xf32, #tpu.memory_space<vmem>>) target(%dma_start3A_303 : memref<25x128xf32, #tpu.memory_space<vmem_shared>>) target_semaphore(%run_scoped3A : memref<!tpu.dma_semaphore, #tpu.memory_space<semaphore_mem>>)
      %dma_wait3A = arith.constant 0 : i32
      %dma_wait3A_304 = tpu.memref_slice %arg18[%add3A_283, %dma_wait3A] : memref<10000x128xf32, #tpu.memory_space<vmem_shared>> -> memref<25x128xf32, #tpu.memory_space<vmem_shared>>
      %dma_wait3A_305 = arith.constant 0 : i32
      %dma_wait3A_306 = tpu.memref_slice %arg18[%add3A_283, %dma_wait3A_305] : memref<10000x128xf32, #tpu.memory_space<vmem_shared>> -> memref<25x128xf32, #tpu.memory_space<vmem_shared>>
      tpu.wait_dma2 semaphore(%run_scoped3A : memref<!tpu.dma_semaphore, #tpu.memory_space<semaphore_mem>>) src(%arg16 : memref<25x128xf32, #tpu.memory_space<vmem>>) dst(%dma_wait3A_306 : memref<25x128xf32, #tpu.memory_space<vmem_shared>>)
      tpu.yield
    }) : () -> ()
    %mul3A_284 = arith.constant 625 : i32
    %mul3A_285 = arith.muli %arg1, %mul3A_284 : i32
    %add3A_286 = arith.constant 600 : i32
    %add3A_287 = arith.addi %mul3A_285, %add3A_286 : i32
    "tpu.region"() ({
      %run_scoped3A = tpu.sem_alloc : memref<!tpu.dma_semaphore, #tpu.memory_space<semaphore_mem>>
      %dma_start3A = arith.constant 0 : i32
      %dma_start3A_301 = tpu.memref_slice %arg18[%add3A_287, %dma_start3A] : memref<10000x128xf32, #tpu.memory_space<vmem_shared>> -> memref<25x128xf32, #tpu.memory_space<vmem_shared>>
      %dma_start3A_302 = arith.constant 0 : i32
      %dma_start3A_303 = tpu.memref_slice %arg18[%add3A_287, %dma_start3A_302] : memref<10000x128xf32, #tpu.memory_space<vmem_shared>> -> memref<25x128xf32, #tpu.memory_space<vmem_shared>>
      tpu.enqueue_dma source(%arg16 : memref<25x128xf32, #tpu.memory_space<vmem>>) target(%dma_start3A_303 : memref<25x128xf32, #tpu.memory_space<vmem_shared>>) target_semaphore(%run_scoped3A : memref<!tpu.dma_semaphore, #tpu.memory_space<semaphore_mem>>)
      %dma_wait3A = arith.constant 0 : i32
      %dma_wait3A_304 = tpu.memref_slice %arg18[%add3A_287, %dma_wait3A] : memref<10000x128xf32, #tpu.memory_space<vmem_shared>> -> memref<25x128xf32, #tpu.memory_space<vmem_shared>>
      %dma_wait3A_305 = arith.constant 0 : i32
      %dma_wait3A_306 = tpu.memref_slice %arg18[%add3A_287, %dma_wait3A_305] : memref<10000x128xf32, #tpu.memory_space<vmem_shared>> -> memref<25x128xf32, #tpu.memory_space<vmem_shared>>
      tpu.wait_dma2 semaphore(%run_scoped3A : memref<!tpu.dma_semaphore, #tpu.memory_space<semaphore_mem>>) src(%arg16 : memref<25x128xf32, #tpu.memory_space<vmem>>) dst(%dma_wait3A_306 : memref<25x128xf32, #tpu.memory_space<vmem_shared>>)
      tpu.yield
    }) : () -> ()
    %mul3A_288 = arith.constant 640 : i32
    %mul3A_289 = arith.muli %arg1, %mul3A_288 : i32
    "tpu.region"() ({
      %run_scoped3A = tpu.sem_alloc : memref<!tpu.dma_semaphore, #tpu.memory_space<semaphore_mem>>
      %dma_start3A = tpu.memref_slice %arg19[%mul3A_289] : memref<10240xf32, #tpu.memory_space<vmem_shared>> -> memref<640xf32, #tpu.memory_space<vmem_shared>>
      %dma_start3A_301 = tpu.memref_slice %arg19[%mul3A_289] : memref<10240xf32, #tpu.memory_space<vmem_shared>> -> memref<640xf32, #tpu.memory_space<vmem_shared>>
      tpu.enqueue_dma source(%arg17 : memref<640xf32, #tpu.memory_space<vmem>>) target(%dma_start3A_301 : memref<640xf32, #tpu.memory_space<vmem_shared>>) target_semaphore(%run_scoped3A : memref<!tpu.dma_semaphore, #tpu.memory_space<semaphore_mem>>)
      %dma_wait3A = tpu.memref_slice %arg19[%mul3A_289] : memref<10240xf32, #tpu.memory_space<vmem_shared>> -> memref<640xf32, #tpu.memory_space<vmem_shared>>
      %dma_wait3A_302 = tpu.memref_slice %arg19[%mul3A_289] : memref<10240xf32, #tpu.memory_space<vmem_shared>> -> memref<640xf32, #tpu.memory_space<vmem_shared>>
      tpu.wait_dma2 semaphore(%run_scoped3A : memref<!tpu.dma_semaphore, #tpu.memory_space<semaphore_mem>>) src(%arg17 : memref<640xf32, #tpu.memory_space<vmem>>) dst(%dma_wait3A_302 : memref<640xf32, #tpu.memory_space<vmem_shared>>)
      tpu.yield
    }) : () -> ()
    %barrier3A = arith.constant 0 : index
    tpu.barrier barrier_id(%barrier3A)
    %mul3A_290 = arith.constant 10000 : i32
    %mul3A_291 = arith.muli %add3A, %mul3A_290 : i32
    %scan3A_292 = arith.constant 0 : i32
    %scan3A_293 = arith.constant 0 : i32
    %scan3A_294 = arith.constant 125 : i32
    %scan3A_295 = arith.addi %scan3A_293, %scan3A_294 : i32
    %scan3A_296 = arith.constant 1 : i32
    scf.for %scan3A_301 = %scan3A_293 to %scan3A_295 step %scan3A_296  : i32 {
      %mul3A_302 = arith.constant 80 : i32
      %mul3A_303 = arith.muli %scan3A_301, %mul3A_302 : i32
      %add3A_304 = arith.addi %mul3A_291, %mul3A_303 : i32
      "tpu.region"() ({
        %run_scoped3A = tpu.sem_alloc : memref<!tpu.dma_semaphore, #tpu.memory_space<semaphore_mem>>
        %dma_start3A_321 = tpu.memref_slice %arg5[%add3A_304] : memref<320000xi32, #tpu.memory_space<hbm>> -> memref<80xi32, #tpu.memory_space<hbm>>
        %dma_start3A_322 = tpu.memref_slice %arg5[%add3A_304] : memref<320000xi32, #tpu.memory_space<hbm>> -> memref<80xi32, #tpu.memory_space<hbm>>
        tpu.enqueue_dma source(%dma_start3A_322 : memref<80xi32, #tpu.memory_space<hbm>>) target(%arg9 : memref<80xi32, #tpu.memory_space<vmem>>) target_semaphore(%run_scoped3A : memref<!tpu.dma_semaphore, #tpu.memory_space<semaphore_mem>>)
        %dma_wait3A_323 = tpu.memref_slice %arg5[%add3A_304] : memref<320000xi32, #tpu.memory_space<hbm>> -> memref<80xi32, #tpu.memory_space<hbm>>
        %dma_wait3A_324 = tpu.memref_slice %arg5[%add3A_304] : memref<320000xi32, #tpu.memory_space<hbm>> -> memref<80xi32, #tpu.memory_space<hbm>>
        tpu.wait_dma2 semaphore(%run_scoped3A : memref<!tpu.dma_semaphore, #tpu.memory_space<semaphore_mem>>) src(%dma_wait3A_324 : memref<80xi32, #tpu.memory_space<hbm>>) dst(%arg9 : memref<80xi32, #tpu.memory_space<vmem>>)
        tpu.yield
      }) : () -> ()
      "tpu.region"() ({
        %run_scoped3A = tpu.sem_alloc : memref<!tpu.dma_semaphore, #tpu.memory_space<semaphore_mem>>
        %dma_start3A_321 = tpu.memref_slice %arg6[%add3A_304] : memref<320000xi32, #tpu.memory_space<hbm>> -> memref<80xi32, #tpu.memory_space<hbm>>
        %dma_start3A_322 = tpu.memref_slice %arg6[%add3A_304] : memref<320000xi32, #tpu.memory_space<hbm>> -> memref<80xi32, #tpu.memory_space<hbm>>
        tpu.enqueue_dma source(%dma_start3A_322 : memref<80xi32, #tpu.memory_space<hbm>>) target(%arg10 : memref<80xi32, #tpu.memory_space<vmem>>) target_semaphore(%run_scoped3A : memref<!tpu.dma_semaphore, #tpu.memory_space<semaphore_mem>>)
        %dma_wait3A_323 = tpu.memref_slice %arg6[%add3A_304] : memref<320000xi32, #tpu.memory_space<hbm>> -> memref<80xi32, #tpu.memory_space<hbm>>
        %dma_wait3A_324 = tpu.memref_slice %arg6[%add3A_304] : memref<320000xi32, #tpu.memory_space<hbm>> -> memref<80xi32, #tpu.memory_space<hbm>>
        tpu.wait_dma2 semaphore(%run_scoped3A : memref<!tpu.dma_semaphore, #tpu.memory_space<semaphore_mem>>) src(%dma_wait3A_324 : memref<80xi32, #tpu.memory_space<hbm>>) dst(%arg10 : memref<80xi32, #tpu.memory_space<vmem>>)
        tpu.yield
      }) : () -> ()
      %dma_start3A = arith.constant 0 : i32
      %dma_start3A_305 = arith.constant 0 : i32
      %dma_start3A_306 = tpu.memref_slice %arg2[%dma_start3A, %dma_start3A_305] : memref<10000x128xf32, #tpu.memory_space<hbm>> -> memref<10000x128xf32, #tpu.memory_space<hbm>>
      tpu.enqueue_indirect_dma source(%dma_start3A_306 : memref<10000x128xf32, #tpu.memory_space<hbm>>) target(%arg11 : memref<80x128xf32, #tpu.memory_space<vmem>>) offsets(%arg9 : memref<80xi32, #tpu.memory_space<vmem>>) semaphore(%arg20 : memref<!tpu.dma_semaphore, #tpu.memory_space<semaphore_mem>>)
      %dma_start3A_307 = arith.constant 0 : i32
      %dma_start3A_308 = arith.constant 0 : i32
      %dma_start3A_309 = tpu.memref_slice %arg3[%dma_start3A_307, %dma_start3A_308] : memref<10000x128xf32, #tpu.memory_space<hbm>> -> memref<10000x128xf32, #tpu.memory_space<hbm>>
      tpu.enqueue_indirect_dma source(%dma_start3A_309 : memref<10000x128xf32, #tpu.memory_space<hbm>>) target(%arg12 : memref<80x128xf32, #tpu.memory_space<vmem>>) offsets(%arg10 : memref<80xi32, #tpu.memory_space<vmem>>) semaphore(%arg21 : memref<!tpu.dma_semaphore, #tpu.memory_space<semaphore_mem>>)
      "tpu.region"() ({
        %run_scoped3A = tpu.sem_alloc : memref<!tpu.dma_semaphore, #tpu.memory_space<semaphore_mem>>
        %dma_start3A_321 = arith.constant 0 : i32
        %dma_start3A_322 = tpu.memref_slice %arg4[%add3A_304, %dma_start3A_321] : memref<320000x128xf32, #tpu.memory_space<hbm>> -> memref<80x128xf32, #tpu.memory_space<hbm>>
        %dma_start3A_323 = arith.constant 0 : i32
        %dma_start3A_324 = tpu.memref_slice %arg4[%add3A_304, %dma_start3A_323] : memref<320000x128xf32, #tpu.memory_space<hbm>> -> memref<80x128xf32, #tpu.memory_space<hbm>>
        tpu.enqueue_dma source(%dma_start3A_324 : memref<80x128xf32, #tpu.memory_space<hbm>>) target(%arg13 : memref<80x128xf32, #tpu.memory_space<vmem>>) target_semaphore(%run_scoped3A : memref<!tpu.dma_semaphore, #tpu.memory_space<semaphore_mem>>)
        %dma_wait3A_325 = arith.constant 0 : i32
        %dma_wait3A_326 = tpu.memref_slice %arg4[%add3A_304, %dma_wait3A_325] : memref<320000x128xf32, #tpu.memory_space<hbm>> -> memref<80x128xf32, #tpu.memory_space<hbm>>
        %dma_wait3A_327 = arith.constant 0 : i32
        %dma_wait3A_328 = tpu.memref_slice %arg4[%add3A_304, %dma_wait3A_327] : memref<320000x128xf32, #tpu.memory_space<hbm>> -> memref<80x128xf32, #tpu.memory_space<hbm>>
        tpu.wait_dma2 semaphore(%run_scoped3A : memref<!tpu.dma_semaphore, #tpu.memory_space<semaphore_mem>>) src(%dma_wait3A_328 : memref<80x128xf32, #tpu.memory_space<hbm>>) dst(%arg13 : memref<80x128xf32, #tpu.memory_space<vmem>>)
        tpu.yield
      }) : () -> ()
      %dma_wait3A = arith.constant 0 : i32
      %dma_wait3A_310 = arith.constant 0 : i32
      %dma_wait3A_311 = tpu.memref_slice %arg2[%dma_wait3A, %dma_wait3A_310] : memref<10000x128xf32, #tpu.memory_space<hbm>> -> memref<10000x128xf32, #tpu.memory_space<hbm>>
      tpu.wait_indirect_dma semaphore(%arg20 : memref<!tpu.dma_semaphore, #tpu.memory_space<semaphore_mem>>) src(%dma_wait3A_311 : memref<10000x128xf32, #tpu.memory_space<hbm>>) dst(%arg11 : memref<80x128xf32, #tpu.memory_space<vmem>>)
      %dma_wait3A_312 = arith.constant 0 : i32
      %dma_wait3A_313 = arith.constant 0 : i32
      %dma_wait3A_314 = tpu.memref_slice %arg3[%dma_wait3A_312, %dma_wait3A_313] : memref<10000x128xf32, #tpu.memory_space<hbm>> -> memref<10000x128xf32, #tpu.memory_space<hbm>>
      tpu.wait_indirect_dma semaphore(%arg21 : memref<!tpu.dma_semaphore, #tpu.memory_space<semaphore_mem>>) src(%dma_wait3A_314 : memref<10000x128xf32, #tpu.memory_space<hbm>>) dst(%arg12 : memref<80x128xf32, #tpu.memory_space<vmem>>)
      %scan3A_315 = arith.constant 0 : i32
      %scan3A_316 = arith.constant 0 : i32
      %scan3A_317 = arith.constant 80 : i32
      %scan3A_318 = arith.addi %scan3A_316, %scan3A_317 : i32
      %scan3A_319 = arith.constant 1 : i32
      scf.for %scan3A_321 = %scan3A_316 to %scan3A_318 step %scan3A_319  : i32 {
        %get3A = arith.index_cast %scan3A_321 : i32 to index
        %get3A_322 = arith.constant 0 : index
        %get3A_323 = tpu.vector_load %arg11[%get3A, %get3A_322] {strides = array<i32>} : memref<80x128xf32, #tpu.memory_space<vmem>>, vector<1x16xf32>,
        %get3A_324 = vector.shape_cast %get3A_323 : vector<1x16xf32> to vector<16xf32>
        %get3A_325 = arith.index_cast %scan3A_321 : i32 to index
        %get3A_326 = arith.constant 0 : index
        %get3A_327 = tpu.vector_load %arg12[%get3A_325, %get3A_326] {strides = array<i32>} : memref<80x128xf32, #tpu.memory_space<vmem>>, vector<1x16xf32>,
        %get3A_328 = vector.shape_cast %get3A_327 : vector<1x16xf32> to vector<16xf32>
        %add3A_329 = arith.addf %get3A_324, %get3A_328 : vector<16xf32>
        %get3A_330 = arith.index_cast %scan3A_321 : i32 to index
        %get3A_331 = arith.constant 0 : index
        %get3A_332 = tpu.vector_load %arg13[%get3A_330, %get3A_331] {strides = array<i32>} : memref<80x128xf32, #tpu.memory_space<vmem>>, vector<1x16xf32>,
        %get3A_333 = vector.shape_cast %get3A_332 : vector<1x16xf32> to vector<16xf32>
        %add3A_334 = arith.addf %add3A_329, %get3A_333 : vector<16xf32>
        %max3A = arith.constant 0.000000e+00 : f32
        %max3A_335 = vector.broadcast %max3A : f32 to vector<16xf32>
        %max3A_336 = arith.maximumf %add3A_334, %max3A_335 : vector<16xf32>
        %get3A_337 = arith.index_cast %scan3A_321 : i32 to index
        %get3A_338 = arith.constant 16 : index
        %get3A_339 = tpu.vector_load %arg11[%get3A_337, %get3A_338] {strides = array<i32>} : memref<80x128xf32, #tpu.memory_space<vmem>>, vector<1x16xf32>,
        %get3A_340 = vector.shape_cast %get3A_339 : vector<1x16xf32> to vector<16xf32>
        %get3A_341 = arith.index_cast %scan3A_321 : i32 to index
        %get3A_342 = arith.constant 16 : index
        %get3A_343 = tpu.vector_load %arg12[%get3A_341, %get3A_342] {strides = array<i32>} : memref<80x128xf32, #tpu.memory_space<vmem>>, vector<1x16xf32>,
        %get3A_344 = vector.shape_cast %get3A_343 : vector<1x16xf32> to vector<16xf32>
        %add3A_345 = arith.addf %get3A_340, %get3A_344 : vector<16xf32>
        %get3A_346 = arith.index_cast %scan3A_321 : i32 to index
        %get3A_347 = arith.constant 16 : index
        %get3A_348 = tpu.vector_load %arg13[%get3A_346, %get3A_347] {strides = array<i32>} : memref<80x128xf32, #tpu.memory_space<vmem>>, vector<1x16xf32>,
        %get3A_349 = vector.shape_cast %get3A_348 : vector<1x16xf32> to vector<16xf32>
        %add3A_350 = arith.addf %add3A_345, %get3A_349 : vector<16xf32>
        %max3A_351 = arith.constant 0.000000e+00 : f32
        %max3A_352 = vector.broadcast %max3A_351 : f32 to vector<16xf32>
        %max3A_353 = arith.maximumf %add3A_350, %max3A_352 : vector<16xf32>
        %get3A_354 = arith.index_cast %scan3A_321 : i32 to index
        %get3A_355 = arith.constant 32 : index
        %get3A_356 = tpu.vector_load %arg11[%get3A_354, %get3A_355] {strides = array<i32>} : memref<80x128xf32, #tpu.memory_space<vmem>>, vector<1x16xf32>,
        %get3A_357 = vector.shape_cast %get3A_356 : vector<1x16xf32> to vector<16xf32>
        %get3A_358 = arith.index_cast %scan3A_321 : i32 to index
        %get3A_359 = arith.constant 32 : index
        %get3A_360 = tpu.vector_load %arg12[%get3A_358, %get3A_359] {strides = array<i32>} : memref<80x128xf32, #tpu.memory_space<vmem>>, vector<1x16xf32>,
        %get3A_361 = vector.shape_cast %get3A_360 : vector<1x16xf32> to vector<16xf32>
        %add3A_362 = arith.addf %get3A_357, %get3A_361 : vector<16xf32>
        %get3A_363 = arith.index_cast %scan3A_321 : i32 to index
        %get3A_364 = arith.constant 32 : index
        %get3A_365 = tpu.vector_load %arg13[%get3A_363, %get3A_364] {strides = array<i32>} : memref<80x128xf32, #tpu.memory_space<vmem>>, vector<1x16xf32>,
        %get3A_366 = vector.shape_cast %get3A_365 : vector<1x16xf32> to vector<16xf32>
        %add3A_367 = arith.addf %add3A_362, %get3A_366 : vector<16xf32>
        %max3A_368 = arith.constant 0.000000e+00 : f32
        %max3A_369 = vector.broadcast %max3A_368 : f32 to vector<16xf32>
        %max3A_370 = arith.maximumf %add3A_367, %max3A_369 : vector<16xf32>
        %get3A_371 = arith.index_cast %scan3A_321 : i32 to index
        %get3A_372 = arith.constant 48 : index
        %get3A_373 = tpu.vector_load %arg11[%get3A_371, %get3A_372] {strides = array<i32>} : memref<80x128xf32, #tpu.memory_space<vmem>>, vector<1x16xf32>,
        %get3A_374 = vector.shape_cast %get3A_373 : vector<1x16xf32> to vector<16xf32>
        %get3A_375 = arith.index_cast %scan3A_321 : i32 to index
        %get3A_376 = arith.constant 48 : index
        %get3A_377 = tpu.vector_load %arg12[%get3A_375, %get3A_376] {strides = array<i32>} : memref<80x128xf32, #tpu.memory_space<vmem>>, vector<1x16xf32>,
        %get3A_378 = vector.shape_cast %get3A_377 : vector<1x16xf32> to vector<16xf32>
        %add3A_379 = arith.addf %get3A_374, %get3A_378 : vector<16xf32>
        %get3A_380 = arith.index_cast %scan3A_321 : i32 to index
        %get3A_381 = arith.constant 48 : index
        %get3A_382 = tpu.vector_load %arg13[%get3A_380, %get3A_381] {strides = array<i32>} : memref<80x128xf32, #tpu.memory_space<vmem>>, vector<1x16xf32>,
        %get3A_383 = vector.shape_cast %get3A_382 : vector<1x16xf32> to vector<16xf32>
        %add3A_384 = arith.addf %add3A_379, %get3A_383 : vector<16xf32>
        %max3A_385 = arith.constant 0.000000e+00 : f32
        %max3A_386 = vector.broadcast %max3A_385 : f32 to vector<16xf32>
        %max3A_387 = arith.maximumf %add3A_384, %max3A_386 : vector<16xf32>
        %get3A_388 = arith.index_cast %scan3A_321 : i32 to index
        %get3A_389 = arith.constant 64 : index
        %get3A_390 = tpu.vector_load %arg11[%get3A_388, %get3A_389] {strides = array<i32>} : memref<80x128xf32, #tpu.memory_space<vmem>>, vector<1x16xf32>,
        %get3A_391 = vector.shape_cast %get3A_390 : vector<1x16xf32> to vector<16xf32>
        %get3A_392 = arith.index_cast %scan3A_321 : i32 to index
        %get3A_393 = arith.constant 64 : index
        %get3A_394 = tpu.vector_load %arg12[%get3A_392, %get3A_393] {strides = array<i32>} : memref<80x128xf32, #tpu.memory_space<vmem>>, vector<1x16xf32>,
        %get3A_395 = vector.shape_cast %get3A_394 : vector<1x16xf32> to vector<16xf32>
        %add3A_396 = arith.addf %get3A_391, %get3A_395 : vector<16xf32>
        %get3A_397 = arith.index_cast %scan3A_321 : i32 to index
        %get3A_398 = arith.constant 64 : index
        %get3A_399 = tpu.vector_load %arg13[%get3A_397, %get3A_398] {strides = array<i32>} : memref<80x128xf32, #tpu.memory_space<vmem>>, vector<1x16xf32>,
        %get3A_400 = vector.shape_cast %get3A_399 : vector<1x16xf32> to vector<16xf32>
        %add3A_401 = arith.addf %add3A_396, %get3A_400 : vector<16xf32>
        %max3A_402 = arith.constant 0.000000e+00 : f32
        %max3A_403 = vector.broadcast %max3A_402 : f32 to vector<16xf32>
        %max3A_404 = arith.maximumf %add3A_401, %max3A_403 : vector<16xf32>
        %get3A_405 = arith.index_cast %scan3A_321 : i32 to index
        %get3A_406 = arith.constant 80 : index
        %get3A_407 = tpu.vector_load %arg11[%get3A_405, %get3A_406] {strides = array<i32>} : memref<80x128xf32, #tpu.memory_space<vmem>>, vector<1x16xf32>,
        %get3A_408 = vector.shape_cast %get3A_407 : vector<1x16xf32> to vector<16xf32>
        %get3A_409 = arith.index_cast %scan3A_321 : i32 to index
        %get3A_410 = arith.constant 80 : index
        %get3A_411 = tpu.vector_load %arg12[%get3A_409, %get3A_410] {strides = array<i32>} : memref<80x128xf32, #tpu.memory_space<vmem>>, vector<1x16xf32>,
        %get3A_412 = vector.shape_cast %get3A_411 : vector<1x16xf32> to vector<16xf32>
        %add3A_413 = arith.addf %get3A_408, %get3A_412 : vector<16xf32>
        %get3A_414 = arith.index_cast %scan3A_321 : i32 to index
        %get3A_415 = arith.constant 80 : index
        %get3A_416 = tpu.vector_load %arg13[%get3A_414, %get3A_415] {strides = array<i32>} : memref<80x128xf32, #tpu.memory_space<vmem>>, vector<1x16xf32>,
        %get3A_417 = vector.shape_cast %get3A_416 : vector<1x16xf32> to vector<16xf32>
        %add3A_418 = arith.addf %add3A_413, %get3A_417 : vector<16xf32>
        %max3A_419 = arith.constant 0.000000e+00 : f32
        %max3A_420 = vector.broadcast %max3A_419 : f32 to vector<16xf32>
        %max3A_421 = arith.maximumf %add3A_418, %max3A_420 : vector<16xf32>
        %get3A_422 = arith.index_cast %scan3A_321 : i32 to index
        %get3A_423 = arith.constant 96 : index
        %get3A_424 = tpu.vector_load %arg11[%get3A_422, %get3A_423] {strides = array<i32>} : memref<80x128xf32, #tpu.memory_space<vmem>>, vector<1x16xf32>,
        %get3A_425 = vector.shape_cast %get3A_424 : vector<1x16xf32> to vector<16xf32>
        %get3A_426 = arith.index_cast %scan3A_321 : i32 to index
        %get3A_427 = arith.constant 96 : index
        %get3A_428 = tpu.vector_load %arg12[%get3A_426, %get3A_427] {strides = array<i32>} : memref<80x128xf32, #tpu.memory_space<vmem>>, vector<1x16xf32>,
        %get3A_429 = vector.shape_cast %get3A_428 : vector<1x16xf32> to vector<16xf32>
        %add3A_430 = arith.addf %get3A_425, %get3A_429 : vector<16xf32>
        %get3A_431 = arith.index_cast %scan3A_321 : i32 to index
        %get3A_432 = arith.constant 96 : index
        %get3A_433 = tpu.vector_load %arg13[%get3A_431, %get3A_432] {strides = array<i32>} : memref<80x128xf32, #tpu.memory_space<vmem>>, vector<1x16xf32>,
        %get3A_434 = vector.shape_cast %get3A_433 : vector<1x16xf32> to vector<16xf32>
        %add3A_435 = arith.addf %add3A_430, %get3A_434 : vector<16xf32>
        %max3A_436 = arith.constant 0.000000e+00 : f32
        %max3A_437 = vector.broadcast %max3A_436 : f32 to vector<16xf32>
        %max3A_438 = arith.maximumf %add3A_435, %max3A_437 : vector<16xf32>
        %get3A_439 = arith.index_cast %scan3A_321 : i32 to index
        %get3A_440 = arith.constant 112 : index
        %get3A_441 = tpu.vector_load %arg11[%get3A_439, %get3A_440] {strides = array<i32>} : memref<80x128xf32, #tpu.memory_space<vmem>>, vector<1x16xf32>,
        %get3A_442 = vector.shape_cast %get3A_441 : vector<1x16xf32> to vector<16xf32>
        %get3A_443 = arith.index_cast %scan3A_321 : i32 to index
        %get3A_444 = arith.constant 112 : index
        %get3A_445 = tpu.vector_load %arg12[%get3A_443, %get3A_444] {strides = array<i32>} : memref<80x128xf32, #tpu.memory_space<vmem>>, vector<1x16xf32>,
        %get3A_446 = vector.shape_cast %get3A_445 : vector<1x16xf32> to vector<16xf32>
        %add3A_447 = arith.addf %get3A_442, %get3A_446 : vector<16xf32>
        %get3A_448 = arith.index_cast %scan3A_321 : i32 to index
        %get3A_449 = arith.constant 112 : index
        %get3A_450 = tpu.vector_load %arg13[%get3A_448, %get3A_449] {strides = array<i32>} : memref<80x128xf32, #tpu.memory_space<vmem>>, vector<1x16xf32>,
        %get3A_451 = vector.shape_cast %get3A_450 : vector<1x16xf32> to vector<16xf32>
        %add3A_452 = arith.addf %add3A_447, %get3A_451 : vector<16xf32>
        %max3A_453 = arith.constant 0.000000e+00 : f32
        %max3A_454 = vector.broadcast %max3A_453 : f32 to vector<16xf32>
        %max3A_455 = arith.maximumf %add3A_452, %max3A_454 : vector<16xf32>
        %add3A_456 = arith.addf %max3A_336, %max3A_353 : vector<16xf32>
        %add3A_457 = arith.addf %max3A_370, %max3A_387 : vector<16xf32>
        %add3A_458 = arith.addf %add3A_456, %add3A_457 : vector<16xf32>
        %add3A_459 = arith.addf %max3A_404, %max3A_421 : vector<16xf32>
        %add3A_460 = arith.addf %max3A_438, %max3A_455 : vector<16xf32>
        %add3A_461 = arith.addf %add3A_459, %add3A_460 : vector<16xf32>
        %add3A_462 = arith.addf %add3A_458, %add3A_461 : vector<16xf32>
        %mul3A_463 = arith.mulf %max3A_336, %max3A_336 : vector<16xf32>
        %mul3A_464 = arith.mulf %max3A_353, %max3A_353 : vector<16xf32>
        %mul3A_465 = arith.mulf %max3A_370, %max3A_370 : vector<16xf32>
        %mul3A_466 = arith.mulf %max3A_387, %max3A_387 : vector<16xf32>
        %mul3A_467 = arith.mulf %max3A_404, %max3A_404 : vector<16xf32>
        %mul3A_468 = arith.mulf %max3A_421, %max3A_421 : vector<16xf32>
        %mul3A_469 = arith.mulf %max3A_438, %max3A_438 : vector<16xf32>
        %mul3A_470 = arith.mulf %max3A_455, %max3A_455 : vector<16xf32>
        %add3A_471 = arith.addf %mul3A_463, %mul3A_464 : vector<16xf32>
        %add3A_472 = arith.addf %mul3A_465, %mul3A_466 : vector<16xf32>
        %add3A_473 = arith.addf %add3A_471, %add3A_472 : vector<16xf32>
        %add3A_474 = arith.addf %mul3A_467, %mul3A_468 : vector<16xf32>
        %add3A_475 = arith.addf %mul3A_469, %mul3A_470 : vector<16xf32>
        %add3A_476 = arith.addf %add3A_474, %add3A_475 : vector<16xf32>
        %add3A_477 = arith.addf %add3A_473, %add3A_476 : vector<16xf32>
        %iota3A = tpu.iota {dimensions = array<i32: 0>} : vector<16xi32>
        %xor3A = arith.constant 8 : i32
        %xor3A_478 = vector.broadcast %xor3A : i32 to vector<16xi32>
        %xor3A_479 = arith.xori %iota3A, %xor3A_478 : vector<16xi32>
        %lt3A = arith.constant 0 : i32
        %lt3A_480 = vector.broadcast %lt3A : i32 to vector<16xi32>
        %lt3A_481 = arith.cmpi slt, %xor3A_479, %lt3A_480 : vector<16xi32>
        %add3A_482 = arith.constant 16 : i32
        %add3A_483 = vector.broadcast %add3A_482 : i32 to vector<16xi32>
        %add3A_484 = arith.addi %xor3A_479, %add3A_483 : vector<16xi32>
        %select_n3A = arith.select %lt3A_481, %add3A_484, %xor3A_479 : vector<16xi1>, vector<16xi32>
        %broadcast_in_dim3A_485 = vector.shape_cast %select_n3A : vector<16xi32> to vector<16x1xi32>
        %gather3A = vector.shape_cast %broadcast_in_dim3A_485 : vector<16x1xi32> to vector<16xi32>
        %gather3A_486 = tpu.dynamic_gather %add3A_462[%gather3A] in [0] : vector<16xf32>, vector<16xi32> -> vector<16xf32>
        %add3A_487 = arith.addf %add3A_462, %gather3A_486 : vector<16xf32>
        %xor3A_488 = arith.constant 8 : i32
        %xor3A_489 = vector.broadcast %xor3A_488 : i32 to vector<16xi32>
        %xor3A_490 = arith.xori %iota3A, %xor3A_489 : vector<16xi32>
        %lt3A_491 = arith.constant 0 : i32
        %lt3A_492 = vector.broadcast %lt3A_491 : i32 to vector<16xi32>
        %lt3A_493 = arith.cmpi slt, %xor3A_490, %lt3A_492 : vector<16xi32>
        %add3A_494 = arith.constant 16 : i32
        %add3A_495 = vector.broadcast %add3A_494 : i32 to vector<16xi32>
        %add3A_496 = arith.addi %xor3A_490, %add3A_495 : vector<16xi32>
        %select_n3A_497 = arith.select %lt3A_493, %add3A_496, %xor3A_490 : vector<16xi1>, vector<16xi32>
        %broadcast_in_dim3A_498 = vector.shape_cast %select_n3A_497 : vector<16xi32> to vector<16x1xi32>
        %gather3A_499 = vector.shape_cast %broadcast_in_dim3A_498 : vector<16x1xi32> to vector<16xi32>
        %gather3A_500 = tpu.dynamic_gather %add3A_477[%gather3A_499] in [0] : vector<16xf32>, vector<16xi32> -> vector<16xf32>
        %add3A_501 = arith.addf %add3A_477, %gather3A_500 : vector<16xf32>
        %xor3A_502 = arith.constant 4 : i32
        %xor3A_503 = vector.broadcast %xor3A_502 : i32 to vector<16xi32>
        %xor3A_504 = arith.xori %iota3A, %xor3A_503 : vector<16xi32>
        %lt3A_505 = arith.constant 0 : i32
        %lt3A_506 = vector.broadcast %lt3A_505 : i32 to vector<16xi32>
        %lt3A_507 = arith.cmpi slt, %xor3A_504, %lt3A_506 : vector<16xi32>
        %add3A_508 = arith.constant 16 : i32
        %add3A_509 = vector.broadcast %add3A_508 : i32 to vector<16xi32>
        %add3A_510 = arith.addi %xor3A_504, %add3A_509 : vector<16xi32>
        %select_n3A_511 = arith.select %lt3A_507, %add3A_510, %xor3A_504 : vector<16xi1>, vector<16xi32>
        %broadcast_in_dim3A_512 = vector.shape_cast %select_n3A_511 : vector<16xi32> to vector<16x1xi32>
        %gather3A_513 = vector.shape_cast %broadcast_in_dim3A_512 : vector<16x1xi32> to vector<16xi32>
        %gather3A_514 = tpu.dynamic_gather %add3A_487[%gather3A_513] in [0] : vector<16xf32>, vector<16xi32> -> vector<16xf32>
        %add3A_515 = arith.addf %add3A_487, %gather3A_514 : vector<16xf32>
        %xor3A_516 = arith.constant 4 : i32
        %xor3A_517 = vector.broadcast %xor3A_516 : i32 to vector<16xi32>
        %xor3A_518 = arith.xori %iota3A, %xor3A_517 : vector<16xi32>
        %lt3A_519 = arith.constant 0 : i32
        %lt3A_520 = vector.broadcast %lt3A_519 : i32 to vector<16xi32>
        %lt3A_521 = arith.cmpi slt, %xor3A_518, %lt3A_520 : vector<16xi32>
        %add3A_522 = arith.constant 16 : i32
        %add3A_523 = vector.broadcast %add3A_522 : i32 to vector<16xi32>
        %add3A_524 = arith.addi %xor3A_518, %add3A_523 : vector<16xi32>
        %select_n3A_525 = arith.select %lt3A_521, %add3A_524, %xor3A_518 : vector<16xi1>, vector<16xi32>
        %broadcast_in_dim3A_526 = vector.shape_cast %select_n3A_525 : vector<16xi32> to vector<16x1xi32>
        %gather3A_527 = vector.shape_cast %broadcast_in_dim3A_526 : vector<16x1xi32> to vector<16xi32>
        %gather3A_528 = tpu.dynamic_gather %add3A_501[%gather3A_527] in [0] : vector<16xf32>, vector<16xi32> -> vector<16xf32>
        %add3A_529 = arith.addf %add3A_501, %gather3A_528 : vector<16xf32>
        %xor3A_530 = arith.constant 2 : i32
        %xor3A_531 = vector.broadcast %xor3A_530 : i32 to vector<16xi32>
        %xor3A_532 = arith.xori %iota3A, %xor3A_531 : vector<16xi32>
        %lt3A_533 = arith.constant 0 : i32
        %lt3A_534 = vector.broadcast %lt3A_533 : i32 to vector<16xi32>
        %lt3A_535 = arith.cmpi slt, %xor3A_532, %lt3A_534 : vector<16xi32>
        %add3A_536 = arith.constant 16 : i32
        %add3A_537 = vector.broadcast %add3A_536 : i32 to vector<16xi32>
        %add3A_538 = arith.addi %xor3A_532, %add3A_537 : vector<16xi32>
        %select_n3A_539 = arith.select %lt3A_535, %add3A_538, %xor3A_532 : vector<16xi1>, vector<16xi32>
        %broadcast_in_dim3A_540 = vector.shape_cast %select_n3A_539 : vector<16xi32> to vector<16x1xi32>
        %gather3A_541 = vector.shape_cast %broadcast_in_dim3A_540 : vector<16x1xi32> to vector<16xi32>
        %gather3A_542 = tpu.dynamic_gather %add3A_515[%gather3A_541] in [0] : vector<16xf32>, vector<16xi32> -> vector<16xf32>
        %add3A_543 = arith.addf %add3A_515, %gather3A_542 : vector<16xf32>
        %xor3A_544 = arith.constant 2 : i32
        %xor3A_545 = vector.broadcast %xor3A_544 : i32 to vector<16xi32>
        %xor3A_546 = arith.xori %iota3A, %xor3A_545 : vector<16xi32>
        %lt3A_547 = arith.constant 0 : i32
        %lt3A_548 = vector.broadcast %lt3A_547 : i32 to vector<16xi32>
        %lt3A_549 = arith.cmpi slt, %xor3A_546, %lt3A_548 : vector<16xi32>
        %add3A_550 = arith.constant 16 : i32
        %add3A_551 = vector.broadcast %add3A_550 : i32 to vector<16xi32>
        %add3A_552 = arith.addi %xor3A_546, %add3A_551 : vector<16xi32>
        %select_n3A_553 = arith.select %lt3A_549, %add3A_552, %xor3A_546 : vector<16xi1>, vector<16xi32>
        %broadcast_in_dim3A_554 = vector.shape_cast %select_n3A_553 : vector<16xi32> to vector<16x1xi32>
        %gather3A_555 = vector.shape_cast %broadcast_in_dim3A_554 : vector<16x1xi32> to vector<16xi32>
        %gather3A_556 = tpu.dynamic_gather %add3A_529[%gather3A_555] in [0] : vector<16xf32>, vector<16xi32> -> vector<16xf32>
        %add3A_557 = arith.addf %add3A_529, %gather3A_556 : vector<16xf32>
        %xor3A_558 = arith.constant 1 : i32
        %xor3A_559 = vector.broadcast %xor3A_558 : i32 to vector<16xi32>
        %xor3A_560 = arith.xori %iota3A, %xor3A_559 : vector<16xi32>
        %lt3A_561 = arith.constant 0 : i32
        %lt3A_562 = vector.broadcast %lt3A_561 : i32 to vector<16xi32>
        %lt3A_563 = arith.cmpi slt, %xor3A_560, %lt3A_562 : vector<16xi32>
        %add3A_564 = arith.constant 16 : i32
        %add3A_565 = vector.broadcast %add3A_564 : i32 to vector<16xi32>
        %add3A_566 = arith.addi %xor3A_560, %add3A_565 : vector<16xi32>
        %select_n3A_567 = arith.select %lt3A_563, %add3A_566, %xor3A_560 : vector<16xi1>, vector<16xi32>
        %broadcast_in_dim3A_568 = vector.shape_cast %select_n3A_567 : vector<16xi32> to vector<16x1xi32>
        %gather3A_569 = vector.shape_cast %broadcast_in_dim3A_568 : vector<16x1xi32> to vector<16xi32>
        %gather3A_570 = tpu.dynamic_gather %add3A_543[%gather3A_569] in [0] : vector<16xf32>, vector<16xi32> -> vector<16xf32>
        %add3A_571 = arith.addf %add3A_543, %gather3A_570 : vector<16xf32>
        %xor3A_572 = arith.constant 1 : i32
        %xor3A_573 = vector.broadcast %xor3A_572 : i32 to vector<16xi32>
        %xor3A_574 = arith.xori %iota3A, %xor3A_573 : vector<16xi32>
        %lt3A_575 = arith.constant 0 : i32
        %lt3A_576 = vector.broadcast %lt3A_575 : i32 to vector<16xi32>
        %lt3A_577 = arith.cmpi slt, %xor3A_574, %lt3A_576 : vector<16xi32>
        %add3A_578 = arith.constant 16 : i32
        %add3A_579 = vector.broadcast %add3A_578 : i32 to vector<16xi32>
        %add3A_580 = arith.addi %xor3A_574, %add3A_579 : vector<16xi32>
        %select_n3A_581 = arith.select %lt3A_577, %add3A_580, %xor3A_574 : vector<16xi1>, vector<16xi32>
        %broadcast_in_dim3A_582 = vector.shape_cast %select_n3A_581 : vector<16xi32> to vector<16x1xi32>
        %gather3A_583 = vector.shape_cast %broadcast_in_dim3A_582 : vector<16x1xi32> to vector<16xi32>
        %gather3A_584 = tpu.dynamic_gather %add3A_557[%gather3A_583] in [0] : vector<16xf32>, vector<16xi32> -> vector<16xf32>
        %add3A_585 = arith.addf %add3A_557, %gather3A_584 : vector<16xf32>
        %mul3A_586 = arith.constant 7.812500e-03 : f32
        %mul3A_587 = vector.broadcast %mul3A_586 : f32 to vector<16xf32>
        %mul3A_588 = arith.mulf %add3A_571, %mul3A_587 : vector<16xf32>
        %mul3A_589 = arith.constant 7.812500e-03 : f32
        %mul3A_590 = vector.broadcast %mul3A_589 : f32 to vector<16xf32>
        %mul3A_591 = arith.mulf %add3A_585, %mul3A_590 : vector<16xf32>
        %mul3A_592 = arith.mulf %mul3A_588, %mul3A_588 : vector<16xf32>
        %sub3A = arith.subf %mul3A_591, %mul3A_592 : vector<16xf32>
        %add3A_593 = arith.constant 9.99999974E-6 : f32
        %add3A_594 = vector.broadcast %add3A_593 : f32 to vector<16xf32>
        %add3A_595 = arith.addf %sub3A, %add3A_594 : vector<16xf32>
        %bitcast_convert_type3A = tpu.bitcast %add3A_595 : vector<16xf32> -> vector<16xi32>
        %shift_right_arithmetic3A = arith.constant 1 : i32
        %shift_right_arithmetic3A_596 = vector.broadcast %shift_right_arithmetic3A : i32 to vector<16xi32>
        %shift_right_arithmetic3A_597 = arith.shrsi %bitcast_convert_type3A, %shift_right_arithmetic3A_596 : vector<16xi32>
        %sub3A_598 = arith.constant 1597463007 : i32
        %sub3A_599 = vector.broadcast %sub3A_598 : i32 to vector<16xi32>
        %sub3A_600 = arith.subi %sub3A_599, %shift_right_arithmetic3A_597 : vector<16xi32>
        %bitcast_convert_type3A_601 = tpu.bitcast %sub3A_600 : vector<16xi32> -> vector<16xf32>
        %mul3A_602 = arith.constant 5.000000e-01 : f32
        %mul3A_603 = vector.broadcast %mul3A_602 : f32 to vector<16xf32>
        %mul3A_604 = arith.mulf %mul3A_603, %add3A_595 : vector<16xf32>
        %mul3A_605 = arith.mulf %mul3A_604, %bitcast_convert_type3A_601 : vector<16xf32>
        %mul3A_606 = arith.mulf %mul3A_605, %bitcast_convert_type3A_601 : vector<16xf32>
        %sub3A_607 = arith.constant 1.500000e+00 : f32
        %sub3A_608 = vector.broadcast %sub3A_607 : f32 to vector<16xf32>
        %sub3A_609 = arith.subf %sub3A_608, %mul3A_606 : vector<16xf32>
        %mul3A_610 = arith.mulf %bitcast_convert_type3A_601, %sub3A_609 : vector<16xf32>
        %mul3A_611 = arith.constant 5.000000e-01 : f32
        %mul3A_612 = vector.broadcast %mul3A_611 : f32 to vector<16xf32>
        %mul3A_613 = arith.mulf %mul3A_612, %add3A_595 : vector<16xf32>
        %mul3A_614 = arith.mulf %mul3A_613, %mul3A_610 : vector<16xf32>
        %mul3A_615 = arith.mulf %mul3A_614, %mul3A_610 : vector<16xf32>
        %sub3A_616 = arith.constant 1.500000e+00 : f32
        %sub3A_617 = vector.broadcast %sub3A_616 : f32 to vector<16xf32>
        %sub3A_618 = arith.subf %sub3A_617, %mul3A_615 : vector<16xf32>
        %mul3A_619 = arith.mulf %mul3A_610, %sub3A_618 : vector<16xf32>
        %mul3A_620 = arith.constant 5.000000e-01 : f32
        %mul3A_621 = vector.broadcast %mul3A_620 : f32 to vector<16xf32>
        %mul3A_622 = arith.mulf %mul3A_621, %add3A_595 : vector<16xf32>
        %mul3A_623 = arith.mulf %mul3A_622, %mul3A_619 : vector<16xf32>
        %mul3A_624 = arith.mulf %mul3A_623, %mul3A_619 : vector<16xf32>
        %sub3A_625 = arith.constant 1.500000e+00 : f32
        %sub3A_626 = vector.broadcast %sub3A_625 : f32 to vector<16xf32>
        %sub3A_627 = arith.subf %sub3A_626, %mul3A_624 : vector<16xf32>
        %mul3A_628 = arith.mulf %mul3A_619, %sub3A_627 : vector<16xf32>
        %sub3A_629 = arith.subf %max3A_336, %mul3A_588 : vector<16xf32>
        %mul3A_630 = arith.mulf %sub3A_629, %mul3A_628 : vector<16xf32>
        %swap3A_631 = arith.index_cast %scan3A_321 : i32 to index
        %swap3A_632 = arith.constant 0 : index
        %swap3A_633 = tpu.vector_load %arg14[%swap3A_631, %swap3A_632] {strides = array<i32>} : memref<80x128xf32, #tpu.memory_space<vmem>>, vector<1x16xf32>,
        %swap3A_634 = vector.shape_cast %swap3A_633 : vector<1x16xf32> to vector<16xf32>
        %swap3A_635 = vector.shape_cast %mul3A_630 : vector<16xf32> to vector<1x16xf32>
        tpu.vector_store %arg14[%swap3A_631, %swap3A_632], %swap3A_635 {strides = array<i32>} : memref<80x128xf32, #tpu.memory_space<vmem>>, vector<1x16xf32>,
        %sub3A_636 = arith.subf %max3A_353, %mul3A_588 : vector<16xf32>
        %mul3A_637 = arith.mulf %sub3A_636, %mul3A_628 : vector<16xf32>
        %swap3A_638 = arith.index_cast %scan3A_321 : i32 to index
        %swap3A_639 = arith.constant 16 : index
        %swap3A_640 = tpu.vector_load %arg14[%swap3A_638, %swap3A_639] {strides = array<i32>} : memref<80x128xf32, #tpu.memory_space<vmem>>, vector<1x16xf32>,
        %swap3A_641 = vector.shape_cast %swap3A_640 : vector<1x16xf32> to vector<16xf32>
        %swap3A_642 = vector.shape_cast %mul3A_637 : vector<16xf32> to vector<1x16xf32>
        tpu.vector_store %arg14[%swap3A_638, %swap3A_639], %swap3A_642 {strides = array<i32>} : memref<80x128xf32, #tpu.memory_space<vmem>>, vector<1x16xf32>,
        %sub3A_643 = arith.subf %max3A_370, %mul3A_588 : vector<16xf32>
        %mul3A_644 = arith.mulf %sub3A_643, %mul3A_628 : vector<16xf32>
        %swap3A_645 = arith.index_cast %scan3A_321 : i32 to index
        %swap3A_646 = arith.constant 32 : index
        %swap3A_647 = tpu.vector_load %arg14[%swap3A_645, %swap3A_646] {strides = array<i32>} : memref<80x128xf32, #tpu.memory_space<vmem>>, vector<1x16xf32>,
        %swap3A_648 = vector.shape_cast %swap3A_647 : vector<1x16xf32> to vector<16xf32>
        %swap3A_649 = vector.shape_cast %mul3A_644 : vector<16xf32> to vector<1x16xf32>
        tpu.vector_store %arg14[%swap3A_645, %swap3A_646], %swap3A_649 {strides = array<i32>} : memref<80x128xf32, #tpu.memory_space<vmem>>, vector<1x16xf32>,
        %sub3A_650 = arith.subf %max3A_387, %mul3A_588 : vector<16xf32>
        %mul3A_651 = arith.mulf %sub3A_650, %mul3A_628 : vector<16xf32>
        %swap3A_652 = arith.index_cast %scan3A_321 : i32 to index
        %swap3A_653 = arith.constant 48 : index
        %swap3A_654 = tpu.vector_load %arg14[%swap3A_652, %swap3A_653] {strides = array<i32>} : memref<80x128xf32, #tpu.memory_space<vmem>>, vector<1x16xf32>,
        %swap3A_655 = vector.shape_cast %swap3A_654 : vector<1x16xf32> to vector<16xf32>
        %swap3A_656 = vector.shape_cast %mul3A_651 : vector<16xf32> to vector<1x16xf32>
        tpu.vector_store %arg14[%swap3A_652, %swap3A_653], %swap3A_656 {strides = array<i32>} : memref<80x128xf32, #tpu.memory_space<vmem>>, vector<1x16xf32>,
        %sub3A_657 = arith.subf %max3A_404, %mul3A_588 : vector<16xf32>
        %mul3A_658 = arith.mulf %sub3A_657, %mul3A_628 : vector<16xf32>
        %swap3A_659 = arith.index_cast %scan3A_321 : i32 to index
        %swap3A_660 = arith.constant 64 : index
        %swap3A_661 = tpu.vector_load %arg14[%swap3A_659, %swap3A_660] {strides = array<i32>} : memref<80x128xf32, #tpu.memory_space<vmem>>, vector<1x16xf32>,
        %swap3A_662 = vector.shape_cast %swap3A_661 : vector<1x16xf32> to vector<16xf32>
        %swap3A_663 = vector.shape_cast %mul3A_658 : vector<16xf32> to vector<1x16xf32>
        tpu.vector_store %arg14[%swap3A_659, %swap3A_660], %swap3A_663 {strides = array<i32>} : memref<80x128xf32, #tpu.memory_space<vmem>>, vector<1x16xf32>,
        %sub3A_664 = arith.subf %max3A_421, %mul3A_588 : vector<16xf32>
        %mul3A_665 = arith.mulf %sub3A_664, %mul3A_628 : vector<16xf32>
        %swap3A_666 = arith.index_cast %scan3A_321 : i32 to index
        %swap3A_667 = arith.constant 80 : index
        %swap3A_668 = tpu.vector_load %arg14[%swap3A_666, %swap3A_667] {strides = array<i32>} : memref<80x128xf32, #tpu.memory_space<vmem>>, vector<1x16xf32>,
        %swap3A_669 = vector.shape_cast %swap3A_668 : vector<1x16xf32> to vector<16xf32>
        %swap3A_670 = vector.shape_cast %mul3A_665 : vector<16xf32> to vector<1x16xf32>
        tpu.vector_store %arg14[%swap3A_666, %swap3A_667], %swap3A_670 {strides = array<i32>} : memref<80x128xf32, #tpu.memory_space<vmem>>, vector<1x16xf32>,
        %sub3A_671 = arith.subf %max3A_438, %mul3A_588 : vector<16xf32>
        %mul3A_672 = arith.mulf %sub3A_671, %mul3A_628 : vector<16xf32>
        %swap3A_673 = arith.index_cast %scan3A_321 : i32 to index
        %swap3A_674 = arith.constant 96 : index
        %swap3A_675 = tpu.vector_load %arg14[%swap3A_673, %swap3A_674] {strides = array<i32>} : memref<80x128xf32, #tpu.memory_space<vmem>>, vector<1x16xf32>,
        %swap3A_676 = vector.shape_cast %swap3A_675 : vector<1x16xf32> to vector<16xf32>
        %swap3A_677 = vector.shape_cast %mul3A_672 : vector<16xf32> to vector<1x16xf32>
        tpu.vector_store %arg14[%swap3A_673, %swap3A_674], %swap3A_677 {strides = array<i32>} : memref<80x128xf32, #tpu.memory_space<vmem>>, vector<1x16xf32>,
        %sub3A_678 = arith.subf %max3A_455, %mul3A_588 : vector<16xf32>
        %mul3A_679 = arith.mulf %sub3A_678, %mul3A_628 : vector<16xf32>
        %swap3A_680 = arith.index_cast %scan3A_321 : i32 to index
        %swap3A_681 = arith.constant 112 : index
        %swap3A_682 = tpu.vector_load %arg14[%swap3A_680, %swap3A_681] {strides = array<i32>} : memref<80x128xf32, #tpu.memory_space<vmem>>, vector<1x16xf32>,
        %swap3A_683 = vector.shape_cast %swap3A_682 : vector<1x16xf32> to vector<16xf32>
        %swap3A_684 = vector.shape_cast %mul3A_679 : vector<16xf32> to vector<1x16xf32>
        tpu.vector_store %arg14[%swap3A_680, %swap3A_681], %swap3A_684 {strides = array<i32>} : memref<80x128xf32, #tpu.memory_space<vmem>>, vector<1x16xf32>,
      }
      %scan3A_320 = arith.constant 80 : i32
      "tpu.region"() ({
        %run_scoped3A = tpu.sem_alloc : memref<!tpu.dma_semaphore, #tpu.memory_space<semaphore_mem>>
        %dma_start3A_321 = arith.constant 0 : i32
        %dma_start3A_322 = arith.constant 0 : i32
        %dma_start3A_323 = tpu.memref_slice %arg18[%dma_start3A_321, %dma_start3A_322] : memref<10000x128xf32, #tpu.memory_space<vmem_shared>> -> memref<10000x128xf32, #tpu.memory_space<vmem_shared>>
        tpu.enqueue_indirect_dma source(%arg14 : memref<80x128xf32, #tpu.memory_space<vmem>>) target(%dma_start3A_323 : memref<10000x128xf32, #tpu.memory_space<vmem_shared>>) offsets(%arg10 : memref<80xi32, #tpu.memory_space<vmem>>) semaphore(%run_scoped3A : memref<!tpu.dma_semaphore, #tpu.memory_space<semaphore_mem>>) {add = true}
        %dma_wait3A_324 = arith.constant 0 : i32
        %dma_wait3A_325 = arith.constant 0 : i32
        %dma_wait3A_326 = tpu.memref_slice %arg18[%dma_wait3A_324, %dma_wait3A_325] : memref<10000x128xf32, #tpu.memory_space<vmem_shared>> -> memref<10000x128xf32, #tpu.memory_space<vmem_shared>>
        tpu.wait_indirect_dma semaphore(%run_scoped3A : memref<!tpu.dma_semaphore, #tpu.memory_space<semaphore_mem>>) src(%arg14 : memref<80x128xf32, #tpu.memory_space<vmem>>) dst(%dma_wait3A_326 : memref<10000x128xf32, #tpu.memory_space<vmem_shared>>)
        tpu.yield
      }) : () -> ()
      "tpu.region"() ({
        %run_scoped3A = tpu.sem_alloc : memref<!tpu.dma_semaphore, #tpu.memory_space<semaphore_mem>>
        %dma_start3A_321 = arith.constant 0 : i32
        %dma_start3A_322 = tpu.memref_slice %arg19[%dma_start3A_321] : memref<10240xf32, #tpu.memory_space<vmem_shared>> -> memref<10240xf32, #tpu.memory_space<vmem_shared>>
        tpu.enqueue_indirect_dma source(%arg15 : memref<80xf32, #tpu.memory_space<vmem>>) target(%dma_start3A_322 : memref<10240xf32, #tpu.memory_space<vmem_shared>>) offsets(%arg10 : memref<80xi32, #tpu.memory_space<vmem>>) semaphore(%run_scoped3A : memref<!tpu.dma_semaphore, #tpu.memory_space<semaphore_mem>>) {add = true}
        %dma_wait3A_323 = arith.constant 0 : i32
        %dma_wait3A_324 = tpu.memref_slice %arg19[%dma_wait3A_323] : memref<10240xf32, #tpu.memory_space<vmem_shared>> -> memref<10240xf32, #tpu.memory_space<vmem_shared>>
        tpu.wait_indirect_dma semaphore(%run_scoped3A : memref<!tpu.dma_semaphore, #tpu.memory_space<semaphore_mem>>) src(%arg15 : memref<80xf32, #tpu.memory_space<vmem>>) dst(%dma_wait3A_324 : memref<10240xf32, #tpu.memory_space<vmem_shared>>)
        tpu.yield
      }) : () -> ()
    }
    %scan3A_297 = arith.constant 125 : i32
    %barrier3A_298 = arith.constant 0 : index
    tpu.barrier barrier_id(%barrier3A_298)
    %eq3A = arith.constant 0 : i32
    %eq3A_299 = arith.cmpi eq, %arg1, %eq3A : i32
    %convert_element_type3A = arith.extui %eq3A_299 : i1 to i32
    %cond3A = arith.constant 0 : i32
    %cond3A_300 = arith.cmpi ne, %convert_element_type3A, %cond3A : i32
    scf.if %cond3A_300 {
      "tpu.region"() ({
        %run_scoped3A = tpu.sem_alloc : memref<!tpu.dma_semaphore, #tpu.memory_space<semaphore_mem>>
        %dma_start3A = arith.constant 0 : i32
        %dma_start3A_301 = arith.constant 0 : i32
        %dma_start3A_302 = tpu.memref_slice %arg7[%arg0, %dma_start3A, %dma_start3A_301] : memref<2x10000x128xf32, #tpu.memory_space<hbm>> -> memref<1x10000x128xf32, #tpu.memory_space<hbm>>
        %dma_start3A_303 = tpu.memref_squeeze %dma_start3A_302 : memref<1x10000x128xf32, #tpu.memory_space<hbm>> -> memref<10000x128xf32, #tpu.memory_space<hbm>>
        tpu.enqueue_dma source(%arg18 : memref<10000x128xf32, #tpu.memory_space<vmem_shared>>) target(%dma_start3A_303 : memref<10000x128xf32, #tpu.memory_space<hbm>>) target_semaphore(%run_scoped3A : memref<!tpu.dma_semaphore, #tpu.memory_space<semaphore_mem>>)
        %dma_wait3A = arith.constant 0 : i32
        %dma_wait3A_304 = arith.constant 0 : i32
        %dma_wait3A_305 = tpu.memref_slice %arg7[%arg0, %dma_wait3A, %dma_wait3A_304] : memref<2x10000x128xf32, #tpu.memory_space<hbm>> -> memref<1x10000x128xf32, #tpu.memory_space<hbm>>
        %dma_wait3A_306 = tpu.memref_squeeze %dma_wait3A_305 : memref<1x10000x128xf32, #tpu.memory_space<hbm>> -> memref<10000x128xf32, #tpu.memory_space<hbm>>
        tpu.wait_dma2 semaphore(%run_scoped3A : memref<!tpu.dma_semaphore, #tpu.memory_space<semaphore_mem>>) src(%arg18 : memref<10000x128xf32, #tpu.memory_space<vmem_shared>>) dst(%dma_wait3A_306 : memref<10000x128xf32, #tpu.memory_space<hbm>>)
        tpu.yield
      }) : () -> ()
      "tpu.region"() ({
        %run_scoped3A = tpu.sem_alloc : memref<!tpu.dma_semaphore, #tpu.memory_space<semaphore_mem>>
        %dma_start3A = arith.constant 0 : i32
        %dma_start3A_301 = tpu.memref_slice %arg8[%arg0, %dma_start3A] : memref<2x10240xf32, #tpu.memory_space<hbm>> -> memref<1x10240xf32, #tpu.memory_space<hbm>>
        %dma_start3A_302 = tpu.memref_squeeze %dma_start3A_301 : memref<1x10240xf32, #tpu.memory_space<hbm>> -> memref<10240xf32, #tpu.memory_space<hbm>>
        tpu.enqueue_dma source(%arg19 : memref<10240xf32, #tpu.memory_space<vmem_shared>>) target(%dma_start3A_302 : memref<10240xf32, #tpu.memory_space<hbm>>) target_semaphore(%run_scoped3A : memref<!tpu.dma_semaphore, #tpu.memory_space<semaphore_mem>>)
        %dma_wait3A = arith.constant 0 : i32
        %dma_wait3A_303 = tpu.memref_slice %arg8[%arg0, %dma_wait3A] : memref<2x10240xf32, #tpu.memory_space<hbm>> -> memref<1x10240xf32, #tpu.memory_space<hbm>>
        %dma_wait3A_304 = tpu.memref_squeeze %dma_wait3A_303 : memref<1x10240xf32, #tpu.memory_space<hbm>> -> memref<10240xf32, #tpu.memory_space<hbm>>
        tpu.wait_dma2 semaphore(%run_scoped3A : memref<!tpu.dma_semaphore, #tpu.memory_space<semaphore_mem>>) src(%arg19 : memref<10240xf32, #tpu.memory_space<vmem_shared>>) dst(%dma_wait3A_304 : memref<10240xf32, #tpu.memory_space<hbm>>)
        tpu.yield
      }) : () -> ()
    } else {
    }
    return
  }
}

module attributes {stable_mosaic.version = 14 : i64} {
  func.func @_prep_body(%arg0: i32, %arg1: memref<1000x128xf32, #tpu.memory_space<vmem>>, %arg2: memref<128x128xf32, #tpu.memory_space<vmem>>, %arg3: memref<128x128xf32, #tpu.memory_space<vmem>>, %arg4: memref<1000x128xf32, #tpu.memory_space<vmem>>, %arg5: memref<1000x128xf32, #tpu.memory_space<vmem>>) attributes {dimension_semantics = [#tpu.dimension_semantics<arbitrary>], iteration_bounds = array<i64: 10>, scalar_prefetch = 0 : i64, scratch_operands = 0 : i64, tpu.core_type = #tpu.core_type<tc>, window_params = [{transform_indices = @transform_0, window_bounds = array<i64: 1000, 128>}, {pipeline_mode = #tpu.pipeline_mode<synchronous>, transform_indices = @transform_1, window_bounds = array<i64: 128, 128>}, {pipeline_mode = #tpu.pipeline_mode<synchronous>, transform_indices = @transform_2, window_bounds = array<i64: 128, 128>}, {transform_indices = @transform_3, window_bounds = array<i64: 1000, 128>}, {transform_indices = @transform_4, window_bounds = array<i64: 1000, 128>}]} {
    %get3A = arith.constant 0 : index
    %get3A_0 = arith.constant 0 : index
    %get3A_1 = vector.load %arg1[%get3A, %get3A_0] : memref<1000x128xf32, #tpu.memory_space<vmem>>, vector<1000x128xf32>
    %get3A_2 = arith.constant 0 : index
    %get3A_3 = arith.constant 0 : index
    %get3A_4 = vector.load %arg2[%get3A_2, %get3A_3] : memref<128x128xf32, #tpu.memory_space<vmem>>, vector<128x128xf32>
    %dot_general3A = arith.constant dense<0.000000e+00> : vector<1000x128xf32>
    %dot_general3A_5 = tpu.matmul %get3A_1, %get3A_4, %dot_general3A {dimension_numbers = #tpu.dot_dimension_numbers<[1], [0], [0], [1], [0, 0, 1, 1], [], []>, transpose_lhs_hint = false} : vector<1000x128xf32>, vector<128x128xf32>, vector<1000x128xf32> -> vector<1000x128xf32>
    %swap3A = arith.constant 0 : index
    %swap3A_6 = arith.constant 0 : index
    %swap3A_7 = vector.load %arg4[%swap3A, %swap3A_6] : memref<1000x128xf32, #tpu.memory_space<vmem>>, vector<1000x128xf32>
    tpu.vector_store %arg4[%swap3A, %swap3A_6], %dot_general3A_5 {strides = array<i32>} : memref<1000x128xf32, #tpu.memory_space<vmem>>, vector<1000x128xf32>,
    %get3A_8 = arith.constant 0 : index
    %get3A_9 = arith.constant 0 : index
    %get3A_10 = vector.load %arg3[%get3A_8, %get3A_9] : memref<128x128xf32, #tpu.memory_space<vmem>>, vector<128x128xf32>
    %dot_general3A_11 = arith.constant dense<0.000000e+00> : vector<1000x128xf32>
    %dot_general3A_12 = tpu.matmul %get3A_1, %get3A_10, %dot_general3A_11 {dimension_numbers = #tpu.dot_dimension_numbers<[1], [0], [0], [1], [0, 0, 1, 1], [], []>, transpose_lhs_hint = false} : vector<1000x128xf32>, vector<128x128xf32>, vector<1000x128xf32> -> vector<1000x128xf32>
    %swap3A_13 = arith.constant 0 : index
    %swap3A_14 = arith.constant 0 : index
    %swap3A_15 = vector.load %arg5[%swap3A_13, %swap3A_14] : memref<1000x128xf32, #tpu.memory_space<vmem>>, vector<1000x128xf32>
    tpu.vector_store %arg5[%swap3A_13, %swap3A_14], %dot_general3A_12 {strides = array<i32>} : memref<1000x128xf32, #tpu.memory_space<vmem>>, vector<1000x128xf32>,
    return
  }
  func.func @transform_0(%arg0: i32) -> (i32, i32) {
    %c0_i32 = arith.constant 0 : i32
    %c0_i32_0 = arith.constant 0 : i32
    return %arg0, %c0_i32 : i32, i32
  }
  func.func @transform_1(%arg0: i32) -> (i32, i32) {
    %c0_i32 = arith.constant 0 : i32
    %c0_i32_0 = arith.constant 0 : i32
    %c0_i32_1 = arith.constant 0 : i32
    return %c0_i32, %c0_i32_0 : i32, i32
  }
  func.func @transform_2(%arg0: i32) -> (i32, i32) {
    %c0_i32 = arith.constant 0 : i32
    %c0_i32_0 = arith.constant 0 : i32
    %c0_i32_1 = arith.constant 0 : i32
    return %c0_i32, %c0_i32_0 : i32, i32
  }
  func.func @transform_3(%arg0: i32) -> (i32, i32) {
    %c0_i32 = arith.constant 0 : i32
    %c0_i32_0 = arith.constant 0 : i32
    return %arg0, %c0_i32 : i32, i32
  }
  func.func @transform_4(%arg0: i32) -> (i32, i32) {
    %c0_i32 = arith.constant 0 : i32
    %c0_i32_0 = arith.constant 0 : i32
    return %arg0, %c0_i32 : i32, i32
  }
}

module attributes {stable_mosaic.version = 14 : i64} {
  func.func @_edgebase_body(%arg0: i32, %arg1: memref<10000x4xf32, #tpu.memory_space<vmem>>, %arg2: memref<4x128xf32, #tpu.memory_space<vmem>>, %arg3: memref<1x128xf32, #tpu.memory_space<vmem>>, %arg4: memref<10000x128xf32, #tpu.memory_space<vmem>>) attributes {dimension_semantics = [#tpu.dimension_semantics<arbitrary>], iteration_bounds = array<i64: 32>, scalar_prefetch = 0 : i64, scratch_operands = 0 : i64, tpu.core_type = #tpu.core_type<tc>, window_params = [{transform_indices = @transform_0, window_bounds = array<i64: 10000, 4>}, {pipeline_mode = #tpu.pipeline_mode<synchronous>, transform_indices = @transform_1, window_bounds = array<i64: 4, 128>}, {pipeline_mode = #tpu.pipeline_mode<synchronous>, transform_indices = @transform_2, window_bounds = array<i64: 1, 128>}, {transform_indices = @transform_3, window_bounds = array<i64: 10000, 128>}]} {
    %get3A = arith.constant 0 : index
    %get3A_0 = arith.constant 0 : index
    %get3A_1 = vector.load %arg1[%get3A, %get3A_0] : memref<10000x4xf32, #tpu.memory_space<vmem>>, vector<10000x4xf32>
    %get3A_2 = arith.constant 0 : index
    %get3A_3 = arith.constant 0 : index
    %get3A_4 = vector.load %arg2[%get3A_2, %get3A_3] : memref<4x128xf32, #tpu.memory_space<vmem>>, vector<4x128xf32>
    %dot_general3A = arith.constant dense<0.000000e+00> : vector<10000x128xf32>
    %dot_general3A_5 = tpu.matmul %get3A_1, %get3A_4, %dot_general3A {dimension_numbers = #tpu.dot_dimension_numbers<[1], [0], [0], [1], [0, 0, 1, 1], [], []>, transpose_lhs_hint = false} : vector<10000x4xf32>, vector<4x128xf32>, vector<10000x128xf32> -> vector<10000x128xf32>
    %get3A_6 = arith.constant 0 : index
    %get3A_7 = arith.constant 0 : index
    %get3A_8 = vector.load %arg3[%get3A_6, %get3A_7] : memref<1x128xf32, #tpu.memory_space<vmem>>, vector<1x128xf32>
    %add3A = vector.broadcast %get3A_8 : vector<1x128xf32> to vector<10000x128xf32>
    %add3A_9 = arith.addf %dot_general3A_5, %add3A : vector<10000x128xf32>
    %swap3A = arith.constant 0 : index
    %swap3A_10 = arith.constant 0 : index
    %swap3A_11 = vector.load %arg4[%swap3A, %swap3A_10] : memref<10000x128xf32, #tpu.memory_space<vmem>>, vector<10000x128xf32>
    tpu.vector_store %arg4[%swap3A, %swap3A_10], %add3A_9 {strides = array<i32>} : memref<10000x128xf32, #tpu.memory_space<vmem>>, vector<10000x128xf32>,
    return
  }
  func.func @transform_0(%arg0: i32) -> (i32, i32) {
    %c0_i32 = arith.constant 0 : i32
    %c0_i32_0 = arith.constant 0 : i32
    return %arg0, %c0_i32 : i32, i32
  }
  func.func @transform_1(%arg0: i32) -> (i32, i32) {
    %c0_i32 = arith.constant 0 : i32
    %c0_i32_0 = arith.constant 0 : i32
    %c0_i32_1 = arith.constant 0 : i32
    return %c0_i32, %c0_i32_0 : i32, i32
  }
  func.func @transform_2(%arg0: i32) -> (i32, i32) {
    %c0_i32 = arith.constant 0 : i32
    %c0_i32_0 = arith.constant 0 : i32
    %c0_i32_1 = arith.constant 0 : i32
    return %c0_i32, %c0_i32_0 : i32, i32
  }
  func.func @transform_3(%arg0: i32) -> (i32, i32) {
    %c0_i32 = arith.constant 0 : i32
    %c0_i32_0 = arith.constant 0 : i32
    return %arg0, %c0_i32 : i32, i32
  }
}

module attributes {stable_mosaic.version = 14 : i64} {
  func.func @_post_body(%arg0: i32, %arg1: memref<2x1000x128xf32, #tpu.memory_space<vmem>>, %arg2: memref<2x1000x1xf32, #tpu.memory_space<vmem>>, %arg3: memref<1000x128xf32, #tpu.memory_space<vmem>>, %arg4: memref<128xf32, #tpu.memory_space<vmem>>, %arg5: memref<128xf32, #tpu.memory_space<vmem>>, %arg6: memref<128x128xf32, #tpu.memory_space<vmem>>, %arg7: memref<128xf32, #tpu.memory_space<vmem>>, %arg8: memref<128x128xf32, #tpu.memory_space<vmem>>, %arg9: memref<128x128xf32, #tpu.memory_space<vmem>>, %arg10: memref<128xf32, #tpu.memory_space<vmem>>, %arg11: memref<128xf32, #tpu.memory_space<vmem>>, %arg12: memref<128xf32, #tpu.memory_space<vmem>>, %arg13: memref<128x128xf32, #tpu.memory_space<vmem>>, %arg14: memref<128xf32, #tpu.memory_space<vmem>>, %arg15: memref<1000x128xf32, #tpu.memory_space<vmem>>) attributes {dimension_semantics = [#tpu.dimension_semantics<arbitrary>], iteration_bounds = array<i64: 10>, scalar_prefetch = 0 : i64, scratch_operands = 0 : i64, tpu.core_type = #tpu.core_type<tc>, window_params = [{transform_indices = @transform_0, window_bounds = array<i64: 2, 1000, 128>}, {transform_indices = @transform_1, window_bounds = array<i64: 2, 1000, 1>}, {transform_indices = @transform_2, window_bounds = array<i64: 1000, 128>}, {pipeline_mode = #tpu.pipeline_mode<synchronous>, transform_indices = @transform_3, window_bounds = array<i64: 128>}, {pipeline_mode = #tpu.pipeline_mode<synchronous>, transform_indices = @transform_4, window_bounds = array<i64: 128>}, {pipeline_mode = #tpu.pipeline_mode<synchronous>, transform_indices = @transform_5, window_bounds = array<i64: 128, 128>}, {pipeline_mode = #tpu.pipeline_mode<synchronous>, transform_indices = @transform_6, window_bounds = array<i64: 128>}, {pipeline_mode = #tpu.pipeline_mode<synchronous>, transform_indices = @transform_7, window_bounds = array<i64: 128, 128>}, {pipeline_mode = #tpu.pipeline_mode<synchronous>, transform_indices = @transform_8, window_bounds = array<i64: 128, 128>}, {pipeline_mode = #tpu.pipeline_mode<synchronous>, transform_indices = @transform_9, window_bounds = array<i64: 128>}, {pipeline_mode = #tpu.pipeline_mode<synchronous>, transform_indices = @transform_10, window_bounds = array<i64: 128>}, {pipeline_mode = #tpu.pipeline_mode<synchronous>, transform_indices = @transform_11, window_bounds = array<i64: 128>}, {pipeline_mode = #tpu.pipeline_mode<synchronous>, transform_indices = @transform_12, window_bounds = array<i64: 128, 128>}, {pipeline_mode = #tpu.pipeline_mode<synchronous>, transform_indices = @transform_13, window_bounds = array<i64: 128>}, {transform_indices = @transform_14, window_bounds = array<i64: 1000, 128>}]} {
    %get3A = arith.constant 0 : index
    %get3A_0 = arith.constant 0 : index
    %get3A_1 = arith.constant 0 : index
    %get3A_2 = vector.load %arg1[%get3A, %get3A_0, %get3A_1] : memref<2x1000x128xf32, #tpu.memory_space<vmem>>, vector<1x1000x128xf32>
    %get3A_3 = vector.shape_cast %get3A_2 : vector<1x1000x128xf32> to vector<1000x128xf32>
    %get3A_4 = arith.constant 1 : index
    %get3A_5 = arith.constant 0 : index
    %get3A_6 = arith.constant 0 : index
    %get3A_7 = vector.load %arg1[%get3A_4, %get3A_5, %get3A_6] : memref<2x1000x128xf32, #tpu.memory_space<vmem>>, vector<1x1000x128xf32>
    %get3A_8 = vector.shape_cast %get3A_7 : vector<1x1000x128xf32> to vector<1000x128xf32>
    %add3A = arith.addf %get3A_3, %get3A_8 : vector<1000x128xf32>
    %get3A_9 = arith.constant 0 : index
    %get3A_10 = arith.constant 0 : index
    %get3A_11 = arith.constant 0 : index
    %get3A_12 = vector.load %arg2[%get3A_9, %get3A_10, %get3A_11] : memref<2x1000x1xf32, #tpu.memory_space<vmem>>, vector<1x1000x1xf32>
    %get3A_13 = vector.shape_cast %get3A_12 : vector<1x1000x1xf32> to vector<1000x1xf32>
    %get3A_14 = arith.constant 1 : index
    %get3A_15 = arith.constant 0 : index
    %get3A_16 = arith.constant 0 : index
    %get3A_17 = vector.load %arg2[%get3A_14, %get3A_15, %get3A_16] : memref<2x1000x1xf32, #tpu.memory_space<vmem>>, vector<1x1000x1xf32>
    %get3A_18 = vector.shape_cast %get3A_17 : vector<1x1000x1xf32> to vector<1000x1xf32>
    %add3A_19 = arith.addf %get3A_13, %get3A_18 : vector<1000x1xf32>
    %get3A_20 = arith.constant 0 : index
    %get3A_21 = vector.load %arg4[%get3A_20] : memref<128xf32, #tpu.memory_space<vmem>>, vector<128xf32>
    %reshape3A = vector.shape_cast %get3A_21 : vector<128xf32> to vector<128x1xf32>
    %get3A_22 = arith.constant 0 : index
    %get3A_23 = arith.constant 0 : index
    %get3A_24 = vector.load %arg6[%get3A_22, %get3A_23] : memref<128x128xf32, #tpu.memory_space<vmem>>, vector<128x128xf32>
    %mul3A = vector.broadcast %reshape3A : vector<128x1xf32> to vector<128x128xf32>
    %mul3A_25 = arith.mulf %mul3A, %get3A_24 : vector<128x128xf32>
    %get3A_26 = arith.constant 0 : index
    %get3A_27 = vector.load %arg5[%get3A_26] : memref<128xf32, #tpu.memory_space<vmem>>, vector<128xf32>
    %reshape3A_28 = vector.shape_cast %get3A_27 : vector<128xf32> to vector<1x128xf32>
    %get3A_29 = arith.constant 0 : index
    %get3A_30 = arith.constant 0 : index
    %get3A_31 = vector.load %arg6[%get3A_29, %get3A_30] : memref<128x128xf32, #tpu.memory_space<vmem>>, vector<128x128xf32>
    %dot_general3A = arith.constant dense<0.000000e+00> : vector<1x128xf32>
    %dot_general3A_32 = tpu.matmul %reshape3A_28, %get3A_31, %dot_general3A {dimension_numbers = #tpu.dot_dimension_numbers<[1], [0], [0], [1], [0, 0, 1, 1], [], []>, transpose_lhs_hint = false} : vector<1x128xf32>, vector<128x128xf32>, vector<1x128xf32> -> vector<1x128xf32>
    %get3A_33 = arith.constant 0 : index
    %get3A_34 = vector.load %arg7[%get3A_33] : memref<128xf32, #tpu.memory_space<vmem>>, vector<128xf32>
    %reshape3A_35 = vector.shape_cast %get3A_34 : vector<128xf32> to vector<1x128xf32>
    %add3A_36 = arith.addf %dot_general3A_32, %reshape3A_35 : vector<1x128xf32>
    %dot_general3A_37 = arith.constant dense<0.000000e+00> : vector<1000x128xf32>
    %dot_general3A_38 = tpu.matmul %add3A, %mul3A_25, %dot_general3A_37 {dimension_numbers = #tpu.dot_dimension_numbers<[1], [0], [0], [1], [0, 0, 1, 1], [], []>, transpose_lhs_hint = false} : vector<1000x128xf32>, vector<128x128xf32>, vector<1000x128xf32> -> vector<1000x128xf32>
    %mul3A_39 = vector.broadcast %add3A_19 : vector<1000x1xf32> to vector<1000x128xf32>
    %mul3A_40 = vector.broadcast %add3A_36 : vector<1x128xf32> to vector<1000x128xf32>
    %mul3A_41 = arith.mulf %mul3A_39, %mul3A_40 : vector<1000x128xf32>
    %add3A_42 = arith.addf %dot_general3A_38, %mul3A_41 : vector<1000x128xf32>
    %get3A_43 = arith.constant 0 : index
    %get3A_44 = arith.constant 0 : index
    %get3A_45 = vector.load %arg3[%get3A_43, %get3A_44] : memref<1000x128xf32, #tpu.memory_space<vmem>>, vector<1000x128xf32>
    %get3A_46 = arith.constant 0 : index
    %get3A_47 = arith.constant 0 : index
    %get3A_48 = vector.load %arg8[%get3A_46, %get3A_47] : memref<128x128xf32, #tpu.memory_space<vmem>>, vector<128x128xf32>
    %dot_general3A_49 = arith.constant dense<0.000000e+00> : vector<1000x128xf32>
    %dot_general3A_50 = tpu.matmul %get3A_45, %get3A_48, %dot_general3A_49 {dimension_numbers = #tpu.dot_dimension_numbers<[1], [0], [0], [1], [0, 0, 1, 1], [], []>, transpose_lhs_hint = false} : vector<1000x128xf32>, vector<128x128xf32>, vector<1000x128xf32> -> vector<1000x128xf32>
    %get3A_51 = arith.constant 0 : index
    %get3A_52 = arith.constant 0 : index
    %get3A_53 = vector.load %arg9[%get3A_51, %get3A_52] : memref<128x128xf32, #tpu.memory_space<vmem>>, vector<128x128xf32>
    %dot_general3A_54 = arith.constant dense<0.000000e+00> : vector<1000x128xf32>
    %dot_general3A_55 = tpu.matmul %add3A_42, %get3A_53, %dot_general3A_54 {dimension_numbers = #tpu.dot_dimension_numbers<[1], [0], [0], [1], [0, 0, 1, 1], [], []>, transpose_lhs_hint = false} : vector<1000x128xf32>, vector<128x128xf32>, vector<1000x128xf32> -> vector<1000x128xf32>
    %add3A_56 = arith.addf %dot_general3A_50, %dot_general3A_55 : vector<1000x128xf32>
    %get3A_57 = arith.constant 0 : index
    %get3A_58 = vector.load %arg10[%get3A_57] : memref<128xf32, #tpu.memory_space<vmem>>, vector<128xf32>
    %broadcast_in_dim3A = vector.shape_cast %get3A_58 : vector<128xf32> to vector<1x128xf32>
    %add3A_59 = vector.broadcast %broadcast_in_dim3A : vector<1x128xf32> to vector<1000x128xf32>
    %add3A_60 = arith.addf %add3A_56, %add3A_59 : vector<1000x128xf32>
    %max3A = arith.constant 0.000000e+00 : f32
    %max3A_61 = vector.broadcast %max3A : f32 to vector<1000x128xf32>
    %max3A_62 = arith.maximumf %add3A_60, %max3A_61 : vector<1000x128xf32>
    %reduce_sum3A = arith.constant dense<0.000000e+00> : vector<1000xf32>
    %reduce_sum3A_63 = vector.multi_reduction <add>, %max3A_62, %reduce_sum3A [1] : vector<1000x128xf32> to vector<1000xf32>
    %broadcast_in_dim3A_64 = vector.shape_cast %reduce_sum3A_63 : vector<1000xf32> to vector<1000x1xf32>
    %div3A = arith.constant 1.280000e+02 : f32
    %div3A_65 = vector.broadcast %div3A : f32 to vector<1000x1xf32>
    %div3A_66 = arith.divf %broadcast_in_dim3A_64, %div3A_65 : vector<1000x1xf32>
    %mul3A_67 = arith.mulf %max3A_62, %max3A_62 : vector<1000x128xf32>
    %reduce_sum3A_68 = arith.constant dense<0.000000e+00> : vector<1000xf32>
    %reduce_sum3A_69 = vector.multi_reduction <add>, %mul3A_67, %reduce_sum3A_68 [1] : vector<1000x128xf32> to vector<1000xf32>
    %broadcast_in_dim3A_70 = vector.shape_cast %reduce_sum3A_69 : vector<1000xf32> to vector<1000x1xf32>
    %div3A_71 = arith.constant 1.280000e+02 : f32
    %div3A_72 = vector.broadcast %div3A_71 : f32 to vector<1000x1xf32>
    %div3A_73 = arith.divf %broadcast_in_dim3A_70, %div3A_72 : vector<1000x1xf32>
    %mul3A_74 = arith.mulf %div3A_66, %div3A_66 : vector<1000x1xf32>
    %sub3A = arith.subf %div3A_73, %mul3A_74 : vector<1000x1xf32>
    %sub3A_75 = vector.broadcast %div3A_66 : vector<1000x1xf32> to vector<1000x128xf32>
    %sub3A_76 = arith.subf %max3A_62, %sub3A_75 : vector<1000x128xf32>
    %add3A_77 = arith.constant 9.99999974E-6 : f32
    %add3A_78 = vector.broadcast %add3A_77 : f32 to vector<1000x1xf32>
    %add3A_79 = arith.addf %sub3A, %add3A_78 : vector<1000x1xf32>
    %rsqrt3A = math.rsqrt %add3A_79 : vector<1000x1xf32>
    %mul3A_80 = vector.broadcast %rsqrt3A : vector<1000x1xf32> to vector<1000x128xf32>
    %mul3A_81 = arith.mulf %sub3A_76, %mul3A_80 : vector<1000x128xf32>
    %get3A_82 = arith.constant 0 : index
    %get3A_83 = vector.load %arg11[%get3A_82] : memref<128xf32, #tpu.memory_space<vmem>>, vector<128xf32>
    %broadcast_in_dim3A_84 = vector.shape_cast %get3A_83 : vector<128xf32> to vector<1x128xf32>
    %mul3A_85 = vector.broadcast %broadcast_in_dim3A_84 : vector<1x128xf32> to vector<1000x128xf32>
    %mul3A_86 = arith.mulf %mul3A_81, %mul3A_85 : vector<1000x128xf32>
    %get3A_87 = arith.constant 0 : index
    %get3A_88 = vector.load %arg12[%get3A_87] : memref<128xf32, #tpu.memory_space<vmem>>, vector<128xf32>
    %broadcast_in_dim3A_89 = vector.shape_cast %get3A_88 : vector<128xf32> to vector<1x128xf32>
    %add3A_90 = vector.broadcast %broadcast_in_dim3A_89 : vector<1x128xf32> to vector<1000x128xf32>
    %add3A_91 = arith.addf %mul3A_86, %add3A_90 : vector<1000x128xf32>
    %get3A_92 = arith.constant 0 : index
    %get3A_93 = arith.constant 0 : index
    %get3A_94 = vector.load %arg13[%get3A_92, %get3A_93] : memref<128x128xf32, #tpu.memory_space<vmem>>, vector<128x128xf32>
    %dot_general3A_95 = arith.constant dense<0.000000e+00> : vector<1000x128xf32>
    %dot_general3A_96 = tpu.matmul %add3A_91, %get3A_94, %dot_general3A_95 {dimension_numbers = #tpu.dot_dimension_numbers<[1], [0], [0], [1], [0, 0, 1, 1], [], []>, transpose_lhs_hint = false} : vector<1000x128xf32>, vector<128x128xf32>, vector<1000x128xf32> -> vector<1000x128xf32>
    %get3A_97 = arith.constant 0 : index
    %get3A_98 = vector.load %arg14[%get3A_97] : memref<128xf32, #tpu.memory_space<vmem>>, vector<128xf32>
    %broadcast_in_dim3A_99 = vector.shape_cast %get3A_98 : vector<128xf32> to vector<1x128xf32>
    %add3A_100 = vector.broadcast %broadcast_in_dim3A_99 : vector<1x128xf32> to vector<1000x128xf32>
    %add3A_101 = arith.addf %dot_general3A_96, %add3A_100 : vector<1000x128xf32>
    %swap3A = arith.constant 0 : index
    %swap3A_102 = arith.constant 0 : index
    %swap3A_103 = vector.load %arg15[%swap3A, %swap3A_102] : memref<1000x128xf32, #tpu.memory_space<vmem>>, vector<1000x128xf32>
    tpu.vector_store %arg15[%swap3A, %swap3A_102], %add3A_101 {strides = array<i32>} : memref<1000x128xf32, #tpu.memory_space<vmem>>, vector<1000x128xf32>,
    return
  }
  func.func @transform_0(%arg0: i32) -> (i32, i32, i32) {
    %c0_i32 = arith.constant 0 : i32
    %c0_i32_0 = arith.constant 0 : i32
    %c0_i32_1 = arith.constant 0 : i32
    return %c0_i32, %arg0, %c0_i32_0 : i32, i32, i32
  }
  func.func @transform_1(%arg0: i32) -> (i32, i32, i32) {
    %c0_i32 = arith.constant 0 : i32
    %c0_i32_0 = arith.constant 0 : i32
    %c0_i32_1 = arith.constant 0 : i32
    return %c0_i32, %arg0, %c0_i32_0 : i32, i32, i32
  }
  func.func @transform_2(%arg0: i32) -> (i32, i32) {
    %c0_i32 = arith.constant 0 : i32
    %c0_i32_0 = arith.constant 0 : i32
    return %arg0, %c0_i32 : i32, i32
  }
  func.func @transform_3(%arg0: i32) -> i32 {
    %c0_i32 = arith.constant 0 : i32
    %c0_i32_0 = arith.constant 0 : i32
    return %c0_i32 : i32
  }
  func.func @transform_4(%arg0: i32) -> i32 {
    %c0_i32 = arith.constant 0 : i32
    %c0_i32_0 = arith.constant 0 : i32
    return %c0_i32 : i32
  }
  func.func @transform_5(%arg0: i32) -> (i32, i32) {
    %c0_i32 = arith.constant 0 : i32
    %c0_i32_0 = arith.constant 0 : i32
    %c0_i32_1 = arith.constant 0 : i32
    return %c0_i32, %c0_i32_0 : i32, i32
  }
  func.func @transform_6(%arg0: i32) -> i32 {
    %c0_i32 = arith.constant 0 : i32
    %c0_i32_0 = arith.constant 0 : i32
    return %c0_i32 : i32
  }
  func.func @transform_7(%arg0: i32) -> (i32, i32) {
    %c0_i32 = arith.constant 0 : i32
    %c0_i32_0 = arith.constant 0 : i32
    %c0_i32_1 = arith.constant 0 : i32
    return %c0_i32, %c0_i32_0 : i32, i32
  }
  func.func @transform_8(%arg0: i32) -> (i32, i32) {
    %c0_i32 = arith.constant 0 : i32
    %c0_i32_0 = arith.constant 0 : i32
    %c0_i32_1 = arith.constant 0 : i32
    return %c0_i32, %c0_i32_0 : i32, i32
  }
  func.func @transform_9(%arg0: i32) -> i32 {
    %c0_i32 = arith.constant 0 : i32
    %c0_i32_0 = arith.constant 0 : i32
    return %c0_i32 : i32
  }
  func.func @transform_10(%arg0: i32) -> i32 {
    %c0_i32 = arith.constant 0 : i32
    %c0_i32_0 = arith.constant 0 : i32
    return %c0_i32 : i32
  }
  func.func @transform_11(%arg0: i32) -> i32 {
    %c0_i32 = arith.constant 0 : i32
    %c0_i32_0 = arith.constant 0 : i32
    return %c0_i32 : i32
  }
  func.func @transform_12(%arg0: i32) -> (i32, i32) {
    %c0_i32 = arith.constant 0 : i32
    %c0_i32_0 = arith.constant 0 : i32
    %c0_i32_1 = arith.constant 0 : i32
    return %c0_i32, %c0_i32_0 : i32, i32
  }
  func.func @transform_13(%arg0: i32) -> i32 {
    %c0_i32 = arith.constant 0 : i32
    %c0_i32_0 = arith.constant 0 : i32
    return %c0_i32 : i32
  }
  func.func @transform_14(%arg0: i32) -> (i32, i32) {
    %c0_i32 = arith.constant 0 : i32
    %c0_i32_0 = arith.constant 0 : i32
    return %arg0, %c0_i32 : i32, i32
  }
}

</mosaic_0001>

<sc_bundles>
// kernel: kernel.6.cloned.1.call-start
scs
__scs_entry_jumppad:
0x0: {  	(pc) =	sbr.rel $0x88, $3  }
0x1: {  	(tag) =	ssettag $0x0;
	lr =	simm.s32 $0x1  }
0x2: {  	[smem:$0x3F91] =	sst lr;
	_ =	strace $0xD0000000  }
0x3: {  	_ = 	snop  }
0x4: {  	_ = 	snop  }
0x5: {  	_ = 	snop  }
0x6: {  	_ = 	snop  }
0x7: {  	_ = 	snop  }
__scs_overlays_trampoline_lowered:
0x8: {  	[smem:$0x3FA0] =	sst s0  }
0x9: {  	[smem:$0x3FA1] =	sst s1  }
0xa: {  	[smem:$0x3FA2] =	sst s2  }
0xb: {  	[smem:$0x3FA3] =	sst s3  }
0xc: {  	[smem:$0x3FA4] =	sst s4  }
0xd: {  	[smem:$0x3FA5] =	sst s5  }
0xe: {  	[smem:$0x3FA6] =	sst s6  }
0xf: {  	[smem:$0x3FA7] =	sst s7  }
0x10: {  	[smem:$0x3FA8] =	sst s8  }
0x11: {  	[smem:$0x3FA9] =	sst s9;
	s0 =	simm.s32 @!p0 $0x0  }
0x12: {  	s1 =	sld [smem:$0x3F8F];
	s0 =	simm.s32 @p0 $0x1  }
0x13: {  	[smem:$0x3FAA] =	sst s0;
	s0 =	simm.s32 @!p1 $0x0  }
0x14: {  	s2 =	sld [smem:$0x3F8E];
	s0 =	simm.s32 @p1 $0x1  }
0x15: {  	[smem:$0x3FAB] =	sst s0;
	s0 =	simm.s32 @!p2 $0x0  }
0x16: {  	s3 =	sld [smem:$0x3FDB];
	s0 =	simm.s32 @p2 $0x1  }
0x17: {  	s4 =	simm.s32 $0x1BF5;
	[smem:$0x3FAD] =	sst s0  }
0x18: {  	s0 =	sld [smem:$0x3F90];
	_ =	swait.ge [sflag:s4], $0x0  }
0x19: {  	s7 =	sld [smem:$0x3F91]  }
0x1a: {  	s8 =	sadd.s32 $0xFFFFE003, lr  }
0x1b: {  	s9 =	sadd.s32 $0xFFFFFEF7, lr;
	s5 =	simm.s32 $0xFFFFFFFF;
	p2 =	slt.u32 s8, $0xFFFFF086  }
0x1c: {  	p1 =	slt.u32 s9, $0xF7A;
	s5 =	simm.s32 @!p2 $0x0  }
0x1d: {  	s5 =	simm.s32 @p1 $0x1;
	p0 =	seq.s32 s7, s2  }
0x1e: {  	s7 =	smul.u32 @!p0 $0xF7A, s2;
	p2 =	seq.s32 @!p0 s5, $0x0  }
0x1f: {  	s9 =	smul.u32 $0xF7A, s1;
	s8 =	simm.s32 @!p0 $0x1BF5;
	p2 =	por !p2, p0  }
0x20: {  	[sflag:s8] =	ssyncset.s32 @!p0 $0xFFFFF086;
	s6 =	sadd.s32 @!p0 s3, s7;
	s7 =	simm.s32 @!p0 $0x108  }
0x21: {  	s3 =	sadd.s32 s3, s9;
	s6 =	sadd.s32 @!p0 $0x88, s6;
	s7 =	simm.s32 @p2 $0x1082  }
0x22: {  	[simem:s7], [sflag:s8] =	dma.local @!p0 [hbm:s6], $0xF7A  }
0x23: {  	s9 =	sor.u32 $0xD0000000, s2;
	s6 =	simm.s32 $0x108;
	_ =	swait.ge @!p0 [sflag:s8], $0x0  }
0x24: {  	s3 =	sadd.s32 $0x88, s3;
	s6 =	simm.s32 @!p1 $0x1082;
	[sflag:s4] =	ssyncset.s32 $0xFFFFF086  }
0x25: {  	[simem:s6], [sflag:s4] =	dma.local [hbm:s3], $0xF7A  }
0x26: {  	[smem:$0x3F91] =	sst s1;
	(tag) =	ssettag s2;
	_ =	strace s9  }
0x27: {  	s1 =	sld [smem:$0x3FA1]  }
0x28: {  	s2 =	sld [smem:$0x3FA2]  }
0x29: {  	s4 =	sld [smem:$0x3FA4]  }
0x2a: {  	p0 =	seq.s32 s5, $0x0;
	s5 =	sld [smem:$0x3FA5]  }
0x2b: {  	s6 =	sld [smem:$0x3FA6]  }
0x2c: {  	s7 =	sld [smem:$0x3FA7]  }
0x2d: {  	s3 =	simm.s32 $0x108;
	s8 =	sld [smem:$0x3FA8]  }
0x2e: {  	s3 =	simm.s32 @!p0 $0x1082;
	s9 =	sld [smem:$0x3FA9]  }
0x2f: {  	lr =	sadd.s32 s0, s3;
	s0 =	sld [smem:$0x3FA0]  }
0x30: {  	s3 =	sld [smem:$0x3FA3]  }
0x31: {  	[smem:$0x3FAC] =	sst s10  }
0x32: {  	s10 =	sld [smem:$0x3FAA];
	_ =	sdelay $0x3  }
0x33: {  	p0 =	seq.s32 s10, $0x1;
	s10 =	sld [smem:$0x3FAC];
	_ =	sdelay $0x3  }
0x34: {  	[smem:$0x3FAC] =	sst s10  }
0x35: {  	s10 =	sld [smem:$0x3FAB];
	_ =	sdelay $0x3  }
0x36: {  	p1 =	seq.s32 s10, $0x1;
	s10 =	sld [smem:$0x3FAC];
	_ =	sdelay $0x3  }
0x37: {  	[smem:$0x3FAC] =	sst s10  }
0x38: {  	s10 =	sld [smem:$0x3FAD]  }
0x39: {  	_ = 	snop;
	(pc) =	sbr.ind lr, $3  }
0x3a: {  	_ = 	snop  }
0x3b: {  	_ = 	snop  }
0x3c: {  	p2 =	seq.s32 s10, $0x1;
	s10 =	sld [smem:$0x3FAC]  }
0x3d: {  	_ =	shalt  }
0x3e: {  	_ =	shalt  }
0x3f: {  	_ =	shalt  }
0x40: {  	_ =	shalt  }
0x41: {  	_ =	shalt  }
0x42: {  	_ =	shalt  }
0x43: {  	_ =	shalt  }
0x44: {  	_ =	shalt  }
0x45: {  	_ =	shalt  }
0x46: {  	_ =	shalt  }
0x47: {  	_ =	shalt  }
0x48: {  	_ =	shalt  }
0x49: {  	_ =	shalt  }
0x4a: {  	_ =	shalt  }
0x4b: {  	_ =	shalt  }
0x4c: {  	_ =	shalt  }
0x4d: {  	_ =	shalt  }
0x4e: {  	_ =	shalt  }
0x4f: {  	_ =	shalt  }
0x50: {  	_ =	shalt  }
0x51: {  	_ =	shalt  }
0x52: {  	_ =	shalt  }
0x53: {  	_ =	shalt  }
0x54: {  	_ =	shalt  }
0x55: {  	_ =	shalt  }
0x56: {  	_ =	shalt  }
0x57: {  	_ =	shalt  }
0x58: {  	_ =	shalt  }
0x59: {  	_ =	shalt  }
0x5a: {  	_ =	shalt  }
0x5b: {  	_ =	shalt  }
0x5c: {  	_ =	shalt  }
0x5d: {  	_ =	shalt  }
0x5e: {  	_ =	shalt  }
0x5f: {  	_ =	shalt  }
0x60: {  	_ =	shalt  }
0x61: {  	_ =	shalt  }
0x62: {  	_ =	shalt  }
0x63: {  	_ =	shalt  }
0x64: {  	_ =	shalt  }
0x65: {  	_ =	shalt  }
0x66: {  	_ =	shalt  }
0x67: {  	_ =	shalt  }
0x68: {  	_ =	shalt  }
0x69: {  	_ =	shalt  }
0x6a: {  	_ =	shalt  }
0x6b: {  	_ =	shalt  }
0x6c: {  	_ =	shalt  }
0x6d: {  	_ =	shalt  }
0x6e: {  	_ =	shalt  }
0x6f: {  	_ =	shalt  }
0x70: {  	_ =	shalt  }
0x71: {  	_ =	shalt  }
0x72: {  	_ =	shalt  }
0x73: {  	_ =	shalt  }
0x74: {  	_ =	shalt  }
0x75: {  	_ =	shalt  }
0x76: {  	_ =	shalt  }
0x77: {  	_ =	shalt  }
0x78: {  	_ =	shalt  }
0x79: {  	_ =	shalt  }
0x7a: {  	_ =	shalt  }
0x7b: {  	_ =	shalt  }
0x7c: {  	_ =	shalt  }
0x7d: {  	_ =	shalt  }
0x7e: {  	_ =	shalt  }
0x7f: {  	_ =	shalt  }
0x80: {  	_ =	shalt  }
0x81: {  	_ =	shalt  }
0x82: {  	_ =	shalt  }
0x83: {  	_ =	shalt  }
0x84: {  	_ =	shalt  }
0x85: {  	_ =	shalt  }
0x86: {  	_ =	shalt  }
0x87: {  	_ =	shalt  }
.Lfunc_end0:
.L_simem_size_0:
called_computation_lowered:
.L_overlay_start_0:
0x88: {  	s2 =	sld [smem:$0x3FD9]  }
0x89: {  	s3 =	sld [smem:$0x3FFE];
	_ =	sdelay $0x1  }
0x8a: {  	s1 =	srdreg.scid  }
0x8b: {  	s0 =	sand.u32 $0x1, s1  }
0x8c: {  	s17 =	sshll.u32 s0, $0xA;
	s2 =	sadd.s32 s3, s2  }
0x8d: {  	s2 =	sadd.s32 s2, s17  }
0x8e: {  	[smem:$0x3FB8] =	sst s2  }
0x8f: {  	_ = 	snop  }
0x90: {  	s2 =	sld [smem:$0x3FC7]  }
0x91: {  	s18 =	sld [smem:$0x3FC6]  }
0x92: {  	s4 =	sld [smem:$0x3FD0];
	(tm) =	ssettm $0x1  }
0x93: {  	s5 =	sld [smem:$0x3FFB];
	_ =	sdelay $0x3  }
0x94: {  	_ =	strace s5  }
0x95: {  	s5 =	sld [smem:$0x3FFC];
	_ =	sdelay $0x3  }
0x96: {  	_ =	strace s5  }
0x97: {  	s5 =	sld [smem:$0x3FFD];
	_ =	sdelay $0x3  }
0x98: {  	_ =	strace s5  }
0x99: {  	_ =	strace $0x8FFFFFFF  }
0x9a: {  	s19 =	sld [smem:$0x3FDB];
	_ =	sdelay $0x1  }
0x9b: {  	s6 =	simm.s32 $_scs_section_size  }
0x9c: {  	s7 =	simm.s32 $_size__tile_overlayer_lowered;
	s8 =	simm.s32 $_tile_overlayer_lowered  }
0x9d: {  	s22 =	simm.s32 $0x1BFF;
	s21 =	sshll.u32 s8, $0x1;
	s5 =	sadd.s32 s6, s19  }
0x9e: {  	s9 =	simm.s32 $0x0;
	s20 =	sshll.u32 s7, $0x1;
	s7 =	sadd.s32 s21, s5  }
0x9f: {  	[timem:s9], [sflag:s22] =	dma.local [hbm:s7], s20  }
0xa0: {  	_ =	swait.ge [sflag:s22], s20  }
0xa1: {  	s6 =	ssub.s32 $0x0, s20;
	[sflag:s22] =	ssyncset.done $0x0  }
0xa2: {  	[sflag:s22] =	ssyncadd.s32 s6;
	_ =	sdelay $0x1  }
0xa3: {  	s23 =	simm.s32 $0x1B8B  }
0xa4: {  	_ =	swait.ge [sflag:s23], $0x1  }
0xa5: {  	[sflag:s23] =	ssyncset.done $0x0  }
0xa6: {  	s25 =	simm.s32 $0x1B8E;
	s24 =	sld [smem:$0x3FFE];
	[sflag:s23] =	ssyncadd.s32 $0xFFFFFFFF  }
0xa7: {  	s26 =	simm.s32 $execute0_lowered;
	[smem:$0x3FD2] =	sst s25  }
0xa8: {  	s7 =	sshll.u32 s26, $0x1;
	_ =	strace $0x80000046;
	[dreg:$0x1] =	wrdreg $0xFFFFFFFF  }
0xa9: {  	s28 =	simm.s32 $_size_execute0_lowered;
	s5 =	sadd.s32 s5, s7;
	[dreg:$0x0] =	wrdreg $0x0  }
0xaa: {  	s7 =	sshll.u32 s28, $0x1;
	[dreg:$0x2] =	wrdreg s5  }
0xab: {  	[dreg:$0x3] =	wrdreg s7  }
0xac: {  	[dreg:$0x4] =	wrdreg $0xC0  }
0xad: {  	_ =	task [dreg:s9], $0x5FFFF  }
0xae: {  	[dreg:$0x1] =	wrdreg $0xFFFFFFFF  }
0xaf: {  	[dreg:$0x0] =	wrdreg $0x60  }
0xb0: {  	[dreg:$0x2] =	wrdreg s4  }
0xb1: {  	[dreg:$0x3] =	wrdreg s24  }
0xb2: {  	[dreg:$0x4] =	wrdreg s2  }
0xb3: {  	[dreg:$0x5] =	wrdreg s18  }
0xb4: {  	[dreg:$0x6] =	wrdreg $0xB4000  }
0xb5: {  	[dreg:$0x7] =	wrdreg $0x1EC800  }
0xb6: {  	[dreg:$0x8] =	wrdreg $0x9  }
0xb7: {  	_ =	task.clear_ibuf [dreg:s9], $0x9FFFF;
	_ =	strace $0x90000046  }
0xb8: {  	s29 =	simm.s32 $0x9;
	_ =	strace $0x80000048  }
0xb9: {  	_ =	swait.ge [sflag:s29], $0x1  }
0xba: {  	[sflag:s29] =	ssyncadd.s32 $0xFFFFFFFF  }
0xbb: {  	_ =	strace $0x90000048  }
0xbc: {  	_ =	sfence  }
0xbd: {  	s30 =	sld [smem:$0x0];
	_ =	sdelay $0x2  }
0xbe: {  	s31 =	sshll.u32 s1, $0xD;
	s1 =	sshrl.u32 s1, $0x2  }
0xbf: {  	s3 =	sand.u32 $0x4000, s31;
	s1 =	sadd.s32 s1, s30  }
0xc0: {  	s0 =	sor.u32 s3, s0;
	s1 =	sshll.u32 s1, $0x11  }
0xc1: {  	s0 =	sor.u32 s1, s0  }
0xc2: {  	s0 =	sadd.s32 $0x8F2B, s0  }
0xc3: {  	[sflag:s0] =	ssyncadd.remote.s32 $0x1  }
0xc4: {  	_ =	sfence.sel $0xFFFF  }
0xc5: {  	[dreg:$0x0] =	wrdreg $0xFFFFFFFF;
	(pc) =	sbr.abs _section_cstart, $3  }
0xc6: {  	[dreg:$0x1] =	wrdreg $0xFFFFFFFF  }
0xc7: {  	_ =	task.clear_ibuf [dreg:s9], $0x2FFFF;
	_ =	strace $0x9FFFFFFF  }
0xc8: {  	(tm) =	ssettm $0x7FFFFFFF  }
0xc9: {  	_ =	shalt  }
tec
execute0_lowered:
.L_overlay_start_1:
0x0: {  	(tag) =	ssettag $0x1  }
0x1: {  	s0 =	rddreg [dreg:$0x0]  }
0x2: {  	s1 =	rddreg [dreg:$0x1]  }
0x3: {  	s2 =	rddreg [dreg:$0x2]  }
0x4: {  	s3 =	rddreg [dreg:$0x3]  }
0x5: {  	s4 =	rddreg [dreg:$0x4]  }
0x6: {  	s5 =	rddreg [dreg:$0x5];
	s11 =	stileid.u32  }
0x7: {  	s7 =	srdreg.scid;
	s13 =	smul.u32 $0x4E200, s11  }
0x8: {  	s6 =	simm.s32 $0x0;
	s9 =	sand.u32 $0x1, s7;
	s14 =	sshll.u32 s11, $0x1  }
0x9: {  	s10 =	smul.u32 $0x27100, s9;
	s12 =	sshll.u32 s9, $0x4;
	s13 =	sshrl.u32 s13, $0x2  }
0xa: {  	s18 =	ssub.s32 $0x2, s9;
	s14 =	sor.u32 s9, s14;
	s9 =	sadd.s32 s13, s4  }
0xb: {  	[smem:$0x7FF] =	sst s6;
	s13 =	sadd.s32 $0xC80, s9  }
0xc: {  	_ =	strace $0x80000047;
	s20 =	sadd.s32 $0x1900, s9;
	[dreg:$0x7] =	wrdreg s13  }
0xd: {  	s21 =	sadd.s32 $0x2580, s9;
	[dreg:$0x8] =	wrdreg s20  }
0xe: {  	s22 =	sadd.s32 $0x3200, s9;
	[dreg:$0x9] =	wrdreg s21  }
0xf: {  	s23 =	sadd.s32 $0x3E80, s9;
	[dreg:$0xa] =	wrdreg s22  }
0x10: {  	s16 =	sadd.s32 $0x4B00, s9;
	[dreg:$0xb] =	wrdreg s23  }
0x11: {  	s7 =	sadd.s32 $0x4E5400, s1;
	s25 =	sadd.s32 $0x5780, s9;
	[dreg:$0xc] =	wrdreg s16  }
0x12: {  	s8 =	sadd.s32 $0x50C600, s1;
	s26 =	sadd.s32 $0x6400, s9;
	[dreg:$0xd] =	wrdreg s25  }
0x13: {  	s10 =	sadd.s32 s10, s1;
	s30 =	sadd.s32 $0x7080, s9;
	[dreg:$0xe] =	wrdreg s26  }
0x14: {  	s15 =	sshrl.u32 s18, $0x1;
	s10 =	sadd.s32 $0x3E00, s10;
	[dreg:$0xf] =	wrdreg s30  }
0x15: {  	s19 =	smul.u32 $0x2710, s14;
	s31 =	sadd.s32 $0x7D00, s9;
	[dreg:$0x10] =	wrdreg s10  }
0x16: {  	s1 =	sadd.s32 s12, s1;
	s14 =	sadd.s32 $0x8980, s9;
	[dreg:$0x11] =	wrdreg s31  }
0x17: {  	s15 =	ssub.s32 s18, s15;
	s1 =	sadd.s32 $0x3400, s1;
	[dreg:$0x12] =	wrdreg s14  }
0x18: {  	s17 =	smax.u32 s15, $0x1;
	[dreg:$0x14] =	wrdreg s1  }
0x19: {  	s18 =	sadd.s32 $0x9600, s9;
	[dreg:$0x15] =	wrdreg s17  }
0x1a: {  	v0 =	vimm.s32 $0xFEDCBA98;
	v1 =	vimm.s32 $0x76543210;
	[dreg:$0x16] =	wrdreg s18;
	s20 =	sadd.s32 $0xA280, s9  }
0x1b: {  	v2 =	vimm.s32 $0xBA98FEDC;
	v3 =	vimm.s32 $0x32107654;
	s28 =	simm.s32 $0x7900;
	s21 =	sadd.s32 $0xAF00, s9;
	[dreg:$0x17] =	wrdreg s20  }
0x1c: {  	v4 =	vimm.s32 $0xDCFE98BA;
	v5 =	vimm.s32 $0x54761032;
	s24 =	smul.u32 $0xA00, s11;
	s22 =	sadd.s32 $0xBB80, s9;
	[dreg:$0x18] =	wrdreg s21  }
0x1d: {  	v6 =	vimm.s32 $0xEFCDAB89;
	v7 =	vimm.s32 $0x67452301;
	s29 =	simm.s32 $0xA100;
	s23 =	sadd.s32 $0xC800, s9;
	[dreg:$0x19] =	wrdreg s22  }
0x1e: {  	v0 =	vunpack.c.l.s4.s8 v0;
	v1 =	vunpack.c.l.s4.s8 v1;
	v2 =	vunpack.c.l.s4.s8 v2;
	s13 =	sshrl.u32 s24, $0x2;
	s24 =	sadd.s32 $0xD480, s9;
	[dreg:$0x1a] =	wrdreg s23  }
0x1f: {  	p0 =	sne.s32 s11, $0x0;
	v3 =	vunpack.c.l.s4.s8 v3;
	v4 =	vunpack.c.l.s4.s8 v4;
	v5 =	vunpack.c.l.s4.s8 v5;
	s25 =	sadd.s32 $0xE100, s9;
	[dreg:$0x1b] =	wrdreg s24  }
0x20: {  	v6 =	vunpack.c.l.s4.s8 v6;
	v7 =	vunpack.c.l.s4.s8 v7;
	v0 =	vunpack.c.0.s8.s32 v0;
	s15 =	sadd.s32 $0x11F80, s9;
	s26 =	sadd.s32 $0xED80, s9;
	[dreg:$0x1c] =	wrdreg s25  }
0x21: {  	v2 =	vunpack.c.0.s8.s32 v2;
	v3 =	vunpack.c.0.s8.s32 v3;
	v4 =	vunpack.c.0.s8.s32 v4;
	s30 =	sadd.s32 $0xFA00, s9;
	s31 =	sadd.s32 $0x10680, s9;
	[dreg:$0x1d] =	wrdreg s26  }
0x22: {  	v5 =	vunpack.c.0.s8.s32 v5;
	v6 =	vunpack.c.0.s8.s32 v6;
	v7 =	vunpack.c.0.s8.s32 v7;
	s14 =	sadd.s32 $0x11300, s9;
	s17 =	simm.s32 $0xA180;
	[dreg:$0x1e] =	wrdreg s30  }
0x23: {  	v3 =	vcombine.low v3, v2;
	v2 =	vunpack.c.0.s8.s32 v1;
	s18 =	simm.s32 $0x3;
	s16 =	sadd.s32 s13, s5;
	[dreg:$0x1f] =	wrdreg s31  }
0x24: {  	v8 =	vand.u32 $0xF, v0;
	v4 =	vcombine.low v5, v4;
	v5 =	vcombine.low v7, v6;
	s20 =	simm.s32 $0x80;
	s21 =	simm.s32 $0x50;
	s22 =	simm.s32 $0x100  }
0x25: {  	v0 =	vimm.f32 $0.0e+00;
	v1 =	vimm.f32 $1.000000000e+00;
	v2 =	vcombine.low v8, v2;
	s23 =	simm.s32 $0x2900;
	s24 =	simm.s32 $0x5100;
	s25 =	simm.s32 $0x1  }
0x26: {  	v3 =	vand.u32 $0xF, v3;
	v4 =	vand.u32 $0xF, v4;
	v5 =	vand.u32 $0xF, v5;
	s26 =	simm.s32 $0x2;
	[dreg:$0x13] =	wrdreg s16;
	s16 =	sadd.s32 $0x12C00, s9  }
.LBB2_1:
0x27: {  	s1 =	simm.s32 $0x0;
	s10 =	simm.s32 $0x200  }
.LBB2_2:
0x28: {  	p1 =	sne.s32 s10, $0x3000;
	[tilespmem:s1+$0xA1F0] =	vst v0  }
0x29: {  	[tilespmem:s1+$0xA180] =	vst v0  }
0x2a: {  	[tilespmem:s1+$0xA190] =	vst v0  }
.Ltmp0:
0x2b: {  	[tilespmem:s1+$0xA1A0] =	vst v0;
	(pc) =	sbr.rel @p1 .LBB2_2-.Ltmp0, $4  }
0x2c: {  	[tilespmem:s1+$0xA1B0] =	vst v0  }
0x2d: {  	[tilespmem:s1+$0xA1C0] =	vst v0  }
0x2e: {  	[tilespmem:s1+$0xA1D0] =	vst v0  }
0x2f: {  	[tilespmem:s1+$0xA1E0] =	vst v0;
	s1 =	sshra.s32 s10, $0x2;
	s10 =	sadd.s32 $0x200, s10  }
0x30: {  	[tilespmem:s1+$0xA1F0] =	vst v0  }
0x31: {  	[tilespmem:s1+$0xA180] =	vst v0  }
0x32: {  	[tilespmem:s1+$0xA190] =	vst v0  }
0x33: {  	[tilespmem:s1+$0xA1A0] =	vst v0  }
0x34: {  	[tilespmem:s1+$0xA1B0] =	vst v0  }
0x35: {  	[tilespmem:s1+$0xA1C0] =	vst v0  }
0x36: {  	[tilespmem:s1+$0xA1D0] =	vst v0  }
0x37: {  	[tilespmem:s1+$0xA1E0] =	vst v0  }
0x38: {  	[tilespmem:$0xB180] =	vst v0  }
0x39: {  	[tilespmem:$0xB190] =	vst v0  }
0x3a: {  	[tilespmem:$0xB1A0] =	vst v0  }
0x3b: {  	[tilespmem:$0xB1B0] =	vst v0  }
0x3c: {  	[tilespmem:$0xB1C0] =	vst v0  }
0x3d: {  	[tilespmem:$0xB1D0] =	vst v0  }
0x3e: {  	[tilespmem:$0xB1E0] =	vst v0  }
0x3f: {  	[tilespmem:$0xB1F0] =	vst v0  }
0x40: {  	[tilespmem:$0xB200] =	vst v0  }
0x41: {  	[tilespmem:$0xB210] =	vst v0  }
0x42: {  	[tilespmem:$0xB220] =	vst v0  }
0x43: {  	[tilespmem:$0xB230] =	vst v0  }
0x44: {  	[tilespmem:$0xB240] =	vst v0  }
0x45: {  	[tilespmem:$0xB250] =	vst v0  }
0x46: {  	[tilespmem:$0xB260] =	vst v0  }
0x47: {  	[tilespmem:$0xB270] =	vst v0  }
0x48: {  	[tilespmem:$0xB280] =	vst v0  }
0x49: {  	[tilespmem:$0xB290] =	vst v0  }
0x4a: {  	[tilespmem:$0xB2A0] =	vst v0  }
0x4b: {  	[tilespmem:$0xB2B0] =	vst v0  }
0x4c: {  	[tilespmem:$0xB2C0] =	vst v0  }
0x4d: {  	[tilespmem:$0xB2D0] =	vst v0  }
0x4e: {  	[tilespmem:$0xB2E0] =	vst v0  }
0x4f: {  	[tilespmem:$0xB2F0] =	vst v0  }
0x50: {  	[tilespmem:$0xB300] =	vst v0  }
0x51: {  	[tilespmem:$0xB310] =	vst v0  }
0x52: {  	[tilespmem:$0xB320] =	vst v0  }
0x53: {  	[tilespmem:$0xB330] =	vst v0  }
0x54: {  	[tilespmem:$0xB340] =	vst v0  }
0x55: {  	[tilespmem:$0xB350] =	vst v0  }
0x56: {  	[tilespmem:$0xB360] =	vst v0  }
0x57: {  	[tilespmem:$0xB370] =	vst v0  }
0x58: {  	[tilespmem:$0xB380] =	vst v0  }
0x59: {  	[tilespmem:$0xB390] =	vst v0  }
0x5a: {  	[tilespmem:$0xB3A0] =	vst v0  }
0x5b: {  	[tilespmem:$0xB3B0] =	vst v0  }
0x5c: {  	[tilespmem:$0xB3C0] =	vst v0  }
0x5d: {  	[tilespmem:$0xB3D0] =	vst v0  }
0x5e: {  	[tilespmem:$0xB3E0] =	vst v0  }
0x5f: {  	[tilespmem:$0xB3F0] =	vst v0  }
0x60: {  	[tilespmem:$0xA100] =	vst v1  }
0x61: {  	[tilespmem:$0xA110] =	vst v1  }
0x62: {  	[tilespmem:$0xA120] =	vst v1  }
0x63: {  	[tilespmem:$0xA130] =	vst v1  }
0x64: {  	[tilespmem:$0xA140] =	vst v1  }
0x65: {  	[spmem:s9] =	stream.linear.scatter [tilespmem:s17], [sflag:$0x3], $0xC80, $0x38;
	[tilespmem:$0x1EF00] =	vst v63  }
0x66: {  	_ =	swait.ge [sflag:s18], $0xC80  }
0x67: {  	[sflag:s18] =	ssyncset.done $0x0  }
0x68: {  	s12 =	rddreg [dreg:$0x7];
	[sflag:s18] =	ssyncadd.s32 $0xFFFFF380  }
0x69: {  	[spmem:s12] =	stream.linear.scatter [tilespmem:s17], [sflag:$0x3], $0xC80, $0x38;
	[tilespmem:$0x1EF00] =	vst v63  }
0x6a: {  	_ =	swait.ge [sflag:s18], $0xC80  }
0x6b: {  	[sflag:s18] =	ssyncset.done $0x0  }
0x6c: {  	s13 =	rddreg [dreg:$0x8];
	[sflag:s18] =	ssyncadd.s32 $0xFFFFF380  }
0x6d: {  	[spmem:s13] =	stream.linear.scatter [tilespmem:s17], [sflag:$0x3], $0xC80, $0x38;
	[tilespmem:$0x1EF00] =	vst v63  }
0x6e: {  	_ =	swait.ge [sflag:s18], $0xC80  }
0x6f: {  	[sflag:s18] =	ssyncset.done $0x0  }
0x70: {  	s10 =	rddreg [dreg:$0x9];
	[sflag:s18] =	ssyncadd.s32 $0xFFFFF380  }
0x71: {  	[spmem:s10] =	stream.linear.scatter [tilespmem:s17], [sflag:$0x3], $0xC80, $0x38;
	[tilespmem:$0x1EF00] =	vst v63  }
0x72: {  	_ =	swait.ge [sflag:s18], $0xC80  }
0x73: {  	[sflag:s18] =	ssyncset.done $0x0  }
0x74: {  	s11 =	rddreg [dreg:$0xa];
	[sflag:s18] =	ssyncadd.s32 $0xFFFFF380  }
0x75: {  	[spmem:s11] =	stream.linear.scatter [tilespmem:s17], [sflag:$0x3], $0xC80, $0x38;
	[tilespmem:$0x1EF00] =	vst v63  }
0x76: {  	_ =	swait.ge [sflag:s18], $0xC80  }
0x77: {  	[sflag:s18] =	ssyncset.done $0x0  }
0x78: {  	s12 =	rddreg [dreg:$0xb];
	[sflag:s18] =	ssyncadd.s32 $0xFFFFF380  }
0x79: {  	[spmem:s12] =	stream.linear.scatter [tilespmem:s17], [sflag:$0x3], $0xC80, $0x38;
	[tilespmem:$0x1EF00] =	vst v63  }
0x7a: {  	_ =	swait.ge [sflag:s18], $0xC80  }
0x7b: {  	[sflag:s18] =	ssyncset.done $0x0  }
0x7c: {  	s13 =	rddreg [dreg:$0xc];
	[sflag:s18] =	ssyncadd.s32 $0xFFFFF380  }
0x7d: {  	[spmem:s13] =	stream.linear.scatter [tilespmem:s17], [sflag:$0x3], $0xC80, $0x38;
	[tilespmem:$0x1EF00] =	vst v63  }
0x7e: {  	_ =	swait.ge [sflag:s18], $0xC80  }
0x7f: {  	[sflag:s18] =	ssyncset.done $0x0  }
0x80: {  	s10 =	rddreg [dreg:$0xd];
	[sflag:s18] =	ssyncadd.s32 $0xFFFFF380  }
0x81: {  	[spmem:s10] =	stream.linear.scatter [tilespmem:s17], [sflag:$0x3], $0xC80, $0x38;
	[tilespmem:$0x1EF00] =	vst v63  }
0x82: {  	_ =	swait.ge [sflag:s18], $0xC80  }
0x83: {  	[sflag:s18] =	ssyncset.done $0x0  }
0x84: {  	s11 =	rddreg [dreg:$0xe];
	[sflag:s18] =	ssyncadd.s32 $0xFFFFF380  }
0x85: {  	[spmem:s11] =	stream.linear.scatter [tilespmem:s17], [sflag:$0x3], $0xC80, $0x38;
	[tilespmem:$0x1EF00] =	vst v63  }
0x86: {  	_ =	swait.ge [sflag:s18], $0xC80  }
0x87: {  	[sflag:s18] =	ssyncset.done $0x0  }
0x88: {  	s12 =	rddreg [dreg:$0xf];
	[sflag:s18] =	ssyncadd.s32 $0xFFFFF380  }
0x89: {  	[spmem:s12] =	stream.linear.scatter [tilespmem:s17], [sflag:$0x3], $0xC80, $0x38;
	[tilespmem:$0x1EF00] =	vst v63  }
0x8a: {  	_ =	swait.ge [sflag:s18], $0xC80  }
0x8b: {  	[sflag:s18] =	ssyncset.done $0x0  }
0x8c: {  	s13 =	rddreg [dreg:$0x11];
	[sflag:s18] =	ssyncadd.s32 $0xFFFFF380  }
0x8d: {  	[spmem:s13] =	stream.linear.scatter [tilespmem:s17], [sflag:$0x3], $0xC80, $0x38;
	[tilespmem:$0x1EF00] =	vst v63  }
0x8e: {  	_ =	swait.ge [sflag:s18], $0xC80  }
0x8f: {  	[sflag:s18] =	ssyncset.done $0x0  }
0x90: {  	s10 =	rddreg [dreg:$0x12];
	[sflag:s18] =	ssyncadd.s32 $0xFFFFF380  }
0x91: {  	[spmem:s10] =	stream.linear.scatter [tilespmem:s17], [sflag:$0x3], $0xC80, $0x38;
	[tilespmem:$0x1EF00] =	vst v63  }
0x92: {  	_ =	swait.ge [sflag:s18], $0xC80  }
0x93: {  	[sflag:s18] =	ssyncset.done $0x0  }
0x94: {  	s11 =	rddreg [dreg:$0x16];
	[sflag:s18] =	ssyncadd.s32 $0xFFFFF380  }
0x95: {  	[spmem:s11] =	stream.linear.scatter [tilespmem:s17], [sflag:$0x3], $0xC80, $0x38;
	[tilespmem:$0x1EF00] =	vst v63  }
0x96: {  	_ =	swait.ge [sflag:s18], $0xC80  }
0x97: {  	[sflag:s18] =	ssyncset.done $0x0  }
0x98: {  	s12 =	rddreg [dreg:$0x17];
	[sflag:s18] =	ssyncadd.s32 $0xFFFFF380  }
0x99: {  	[spmem:s12] =	stream.linear.scatter [tilespmem:s17], [sflag:$0x3], $0xC80, $0x38;
	[tilespmem:$0x1EF00] =	vst v63  }
0x9a: {  	_ =	swait.ge [sflag:s18], $0xC80  }
0x9b: {  	[sflag:s18] =	ssyncset.done $0x0  }
0x9c: {  	s13 =	rddreg [dreg:$0x18];
	[sflag:s18] =	ssyncadd.s32 $0xFFFFF380  }
0x9d: {  	[spmem:s13] =	stream.linear.scatter [tilespmem:s17], [sflag:$0x3], $0xC80, $0x38;
	[tilespmem:$0x1EF00] =	vst v63  }
0x9e: {  	_ =	swait.ge [sflag:s18], $0xC80  }
0x9f: {  	[sflag:s18] =	ssyncset.done $0x0  }
0xa0: {  	s10 =	rddreg [dreg:$0x19];
	[sflag:s18] =	ssyncadd.s32 $0xFFFFF380  }
0xa1: {  	[spmem:s10] =	stream.linear.scatter [tilespmem:s17], [sflag:$0x3], $0xC80, $0x38;
	[tilespmem:$0x1EF00] =	vst v63  }
0xa2: {  	_ =	swait.ge [sflag:s18], $0xC80  }
0xa3: {  	[sflag:s18] =	ssyncset.done $0x0  }
0xa4: {  	s11 =	rddreg [dreg:$0x1a];
	[sflag:s18] =	ssyncadd.s32 $0xFFFFF380  }
0xa5: {  	[spmem:s11] =	stream.linear.scatter [tilespmem:s17], [sflag:$0x3], $0xC80, $0x38;
	[tilespmem:$0x1EF00] =	vst v63  }
0xa6: {  	_ =	swait.ge [sflag:s18], $0xC80  }
0xa7: {  	[sflag:s18] =	ssyncset.done $0x0  }
0xa8: {  	s12 =	rddreg [dreg:$0x1b];
	[sflag:s18] =	ssyncadd.s32 $0xFFFFF380  }
0xa9: {  	[spmem:s12] =	stream.linear.scatter [tilespmem:s17], [sflag:$0x3], $0xC80, $0x38;
	[tilespmem:$0x1EF00] =	vst v63  }
0xaa: {  	_ =	swait.ge [sflag:s18], $0xC80  }
0xab: {  	[sflag:s18] =	ssyncset.done $0x0  }
0xac: {  	s13 =	rddreg [dreg:$0x1c];
	[sflag:s18] =	ssyncadd.s32 $0xFFFFF380  }
0xad: {  	[spmem:s13] =	stream.linear.scatter [tilespmem:s17], [sflag:$0x3], $0xC80, $0x38;
	[tilespmem:$0x1EF00] =	vst v63  }
0xae: {  	_ =	swait.ge [sflag:s18], $0xC80  }
0xaf: {  	[sflag:s18] =	ssyncset.done $0x0  }
0xb0: {  	s10 =	rddreg [dreg:$0x1d];
	[sflag:s18] =	ssyncadd.s32 $0xFFFFF380  }
0xb1: {  	[spmem:s10] =	stream.linear.scatter [tilespmem:s17], [sflag:$0x3], $0xC80, $0x38;
	[tilespmem:$0x1EF00] =	vst v63  }
0xb2: {  	_ =	swait.ge [sflag:s18], $0xC80  }
0xb3: {  	[sflag:s18] =	ssyncset.done $0x0  }
0xb4: {  	s11 =	rddreg [dreg:$0x1e];
	[sflag:s18] =	ssyncadd.s32 $0xFFFFF380  }
0xb5: {  	[spmem:s11] =	stream.linear.scatter [tilespmem:s17], [sflag:$0x3], $0xC80, $0x38;
	[tilespmem:$0x1EF00] =	vst v63  }
0xb6: {  	_ =	swait.ge [sflag:s18], $0xC80  }
0xb7: {  	[sflag:s18] =	ssyncset.done $0x0  }
0xb8: {  	s12 =	rddreg [dreg:$0x1f];
	[sflag:s18] =	ssyncadd.s32 $0xFFFFF380  }
0xb9: {  	[spmem:s12] =	stream.linear.scatter [tilespmem:s17], [sflag:$0x3], $0xC80, $0x38;
	[tilespmem:$0x1EF00] =	vst v63  }
0xba: {  	_ =	swait.ge [sflag:s18], $0xC80  }
0xbb: {  	[sflag:s18] =	ssyncset.done $0x0  }
0xbc: {  	[sflag:s18] =	ssyncadd.s32 $0xFFFFF380  }
0xbd: {  	[spmem:s14] =	stream.linear.scatter [tilespmem:s17], [sflag:$0x3], $0xC80, $0x38;
	[tilespmem:$0x1EF00] =	vst v63  }
0xbe: {  	_ =	swait.ge [sflag:s18], $0xC80  }
0xbf: {  	[sflag:s18] =	ssyncset.done $0x0  }
0xc0: {  	[sflag:s18] =	ssyncadd.s32 $0xFFFFF380  }
0xc1: {  	[spmem:s15] =	stream.linear.scatter [tilespmem:s17], [sflag:$0x3], $0xC80, $0x38;
	[tilespmem:$0x1EF00] =	vst v63  }
0xc2: {  	_ =	swait.ge [sflag:s18], $0xC80  }
0xc3: {  	[sflag:s18] =	ssyncset.done $0x0  }
0xc4: {  	[sflag:s18] =	ssyncadd.s32 $0xFFFFF380  }
0xc5: {  	[spmem:s16] =	stream.linear.scatter [tilespmem:s17], [sflag:$0x3], $0xC80, $0x38;
	[tilespmem:$0x1EF00] =	vst v63  }
0xc6: {  	_ =	swait.ge [sflag:s18], $0xC80  }
0xc7: {  	[sflag:s18] =	ssyncset.done $0x0  }
0xc8: {  	s10 =	simm.s32 $0xB180;
	s13 =	rddreg [dreg:$0x13];
	[sflag:s18] =	ssyncadd.s32 $0xFFFFF380  }
0xc9: {  	[spmem:s13] =	stream.linear.scatter [tilespmem:s10], [sflag:$0x3], $0x280, $0x38;
	[tilespmem:$0x1EF00] =	vst v63  }
0xca: {  	_ =	swait.ge [sflag:s18], $0x280  }
0xcb: {  	[sflag:s18] =	ssyncset.done $0x0  }
0xcc: {  	[sflag:s18] =	ssyncadd.s32 $0xFFFFFD80  }
0xcd: {  	s30 =	simm.s32 $0x0;
	s31 =	simm.s32 $0x0;
	[bflag:$0x0] =	sbarrier.arrive $0xFFFF  }
.LBB2_4:
0xce: {  	s1 =	smul.u32 $0x50, s31;
	_ =	sdelay $0x1  }
0xcf: {  	s1 =	sadd.s32 s19, s1  }
0xd0: {  	s10 =	sshrl.u32 s1, $0x3  }
0xd1: {  	s11 =	sadd.s32 s2, s10  }
0xd2: {  	[tilespmem:s30], [sflag:$0x3] =	stream.linear.gather [hbm4b:s11+s30], $0x50, $0x38;
	[tilespmem:$0x1EF00] =	vst v63  }
0xd3: {  	_ =	swait.ge [sflag:s18], $0x50  }
0xd4: {  	[sflag:s18] =	ssyncset.done $0x0  }
0xd5: {  	s10 =	sadd.s32 s3, s10;
	[sflag:s18] =	ssyncadd.s32 $0xFFFFFFB0  }
0xd6: {  	[tilespmem:s20], [sflag:$0x3] =	stream.linear.gather [hbm4b:s10+s30], $0x50, $0x38;
	[tilespmem:$0x1EF00] =	vst v63  }
0xd7: {  	_ =	swait.ge [sflag:s18], $0x50  }
0xd8: {  	[sflag:s18] =	ssyncset.done $0x0  }
0xd9: {  	[sflag:s18] =	ssyncadd.s32 $0xFFFFFFB0  }
0xda: {  	[tilespmem:s22], [sflag:$0x1] =	stream.indirect.gather [hbm4b:s0+s21], $0x80, s30, s21, $0xb8;
	[tilespmem:$0x1EF00] =	vst v63  }
0xdb: {  	s1 =	sshll.u32 s1, $0x4  }
0xdc: {  	[tilespmem:s23], [sflag:$0x2] =	stream.indirect.gather [hbm4b:s7+s21], $0x80, s20, s21, $0xb8;
	[tilespmem:$0x1EF00] =	vst v63  }
0xdd: {  	s1 =	sadd.s32 s8, s1  }
0xde: {  	[tilespmem:s24], [sflag:$0x3] =	stream.linear.gather [hbm4b:s1+s30], $0x2800, $0x38;
	[tilespmem:$0x1EF00] =	vst v63  }
0xdf: {  	_ =	swait.ge [sflag:s18], $0x2800  }
0xe0: {  	[sflag:s18] =	ssyncset.done $0x0  }
0xe1: {  	[sflag:s18] =	ssyncadd.s32 $0xFFFFD800  }
0xe2: {  	_ =	swait.ge [sflag:s25], $0x2800  }
0xe3: {  	[sflag:s25] =	ssyncset.done $0x0  }
0xe4: {  	[sflag:s25] =	ssyncadd.s32 $0xFFFFD800  }
0xe5: {  	_ =	swait.ge [sflag:s26], $0x2800  }
0xe6: {  	[sflag:s26] =	ssyncset.done $0x0  }
0xe7: {  	s1 =	simm.s32 $0x0;
	[sflag:s26] =	ssyncadd.s32 $0xFFFFD800  }
0xe8: {  	v6 =	vld [tilespmem:s1+$0x5100]  }
0xe9: {  	v7 =	vld [tilespmem:s1+$0x100]  }
0xea: {  	v8 =	vld [tilespmem:s1+$0x2900]  }
0xeb: {  	v9 =	vld [tilespmem:s1+$0x110]  }
0xec: {  	v10 =	vld [tilespmem:s1+$0x2910]  }
0xed: {  	v11 =	vld [tilespmem:s1+$0x120]  }
0xee: {  	v12 =	vld [tilespmem:s1+$0x2920]  }
0xef: {  	v13 =	vld [tilespmem:s1+$0x130]  }
0xf0: {  	v14 =	vld [tilespmem:s1+$0x2930]  }
0xf1: {  	v15 =	vld [tilespmem:s1+$0x140]  }
0xf2: {  	v16 =	vld [tilespmem:s1+$0x2940]  }
0xf3: {  	v17 =	vld [tilespmem:s1+$0x150]  }
0xf4: {  	v18 =	vld [tilespmem:s1+$0x2950]  }
0xf5: {  	v19 =	vld [tilespmem:s1+$0x160]  }
0xf6: {  	v20 =	vld [tilespmem:s1+$0x2960]  }
0xf7: {  	v21 =	vld [tilespmem:s1+$0x170]  }
0xf8: {  	v22 =	vld [tilespmem:s1+$0x2970]  }
0xf9: {  	v23 =	vld [tilespmem:s1+$0x5110]  }
0xfa: {  	v24 =	vld [tilespmem:s1+$0x5120]  }
0xfb: {  	v25 =	vld [tilespmem:s1+$0x5130]  }
0xfc: {  	v7 =	vadd.f32 v8, v7;
	v8 =	vld [tilespmem:s1+$0x5140]  }
0xfd: {  	v9 =	vadd.f32 v10, v9;
	v10 =	vadd.f32 v12, v11;
	v11 =	vld [tilespmem:s1+$0x5150]  }
0xfe: {  	v12 =	vadd.f32 v14, v13;
	v14 =	vld [tilespmem:s1+$0x5160]  }
0xff: {  	v13 =	vadd.f32 v16, v15;
	v15 =	vadd.f32 v18, v17;
	v17 =	vld [tilespmem:s1+$0x5170]  }
0x100: {  	v16 =	vadd.f32 v20, v19;
	v6 =	vadd.f32 v6, v7  }
0x101: {  	v7 =	vadd.f32 v23, v9;
	v9 =	vadd.f32 v24, v10  }
0x102: {  	v18 =	vadd.f32 v22, v21;
	v10 =	vadd.f32 v25, v12  }
0x103: {  	v20 =	vmax.f32 v9, $0.0e+00;
	v8 =	vadd.f32 v8, v13;
	v11 =	vadd.f32 v11, v15  }
0x104: {  	v12 =	vadd.f32 v14, v16;
	v15 =	vmax.f32 v6, $0.0e+00;
	v6 =	vadd.f32 v17, v18  }
0x105: {  	v16 =	vmax.f32 v7, $0.0e+00;
	v18 =	vmax.f32 v10, $0.0e+00;
	v13 =	vmul.f32 v20, v20  }
0x106: {  	v7 =	vadd.f32 v16, v15;
	v9 =	vmul.f32 v15, v15;
	v24 =	vmul.f32 v18, v18  }
0x107: {  	s10 =	simm.s32 $0x80;
	v19 =	vmax.f32 v8, $0.0e+00;
	v22 =	vmax.f32 v11, $0.0e+00;
	v14 =	vmax.f32 v12, $0.0e+00  }
0x108: {  	v28 =	vld [tilespmem:s10+$0x2910];
	v21 =	vmax.f32 v6, $0.0e+00;
	v8 =	vadd.f32 v18, v20;
	v12 =	vmul.f32 v16, v16  }
0x109: {  	v30 =	vld [tilespmem:s10+$0x120];
	v11 =	vadd.f32 v22, v19;
	v23 =	vadd.f32 v21, v14;
	v26 =	vmul.f32 v19, v19  }
0x10a: {  	v31 =	vld [tilespmem:s10+$0x2960];
	v27 =	vmul.f32 v22, v22;
	v29 =	vmul.f32 v14, v14  }
0x10b: {  	v32 =	vld [tilespmem:s10+$0x170];
	v7 =	vadd.f32 v8, v7;
	v8 =	vadd.f32 v23, v11;
	v11 =	vmul.f32 v21, v21  }
0x10c: {  	v33 =	vld [tilespmem:s10+$0x2970];
	v9 =	vadd.f32 v12, v9;
	v12 =	vadd.f32 v24, v13  }
0x10d: {  	v25 =	vld [tilespmem:s10+$0x110];
	v24 =	vadd.f32 v27, v26;
	v11 =	vadd.f32 v11, v29  }
0x10e: {  	v34 =	vld [tilespmem:s10+$0x5110];
	v9 =	vadd.f32 v12, v9  }
0x10f: {  	v10 =	vld [tilespmem:s10+$0x100];
	v7 =	vadd.f32 v8, v7;
	v11 =	vadd.f32 v11, v24  }
0x110: {  	v17 =	vld [tilespmem:s10+$0x2900]  }
0x111: {  	v6 =	vld [tilespmem:s10+$0x5100];
	v9 =	vadd.f32 v11, v9;
	v11 =	vperm.xlane v7, v2  }
0x112: {  	v25 =	vadd.f32 v28, v25;
	v28 =	vld [tilespmem:s10+$0x5130]  }
0x113: {  	v13 =	vld [tilespmem:s10+$0x130];
	v7 =	vadd.f32 v7, v11;
	v11 =	vperm.xlane v9, v2  }
0x114: {  	v26 =	vld [tilespmem:s10+$0x2930]  }
0x115: {  	v27 =	vld [tilespmem:s10+$0x2950];
	v9 =	vadd.f32 v9, v11;
	v11 =	vperm.xlane v7, v3  }
0x116: {  	v12 =	vld [tilespmem:s10+$0x2940]  }
0x117: {  	v8 =	vld [tilespmem:s10+$0x140];
	v7 =	vadd.f32 v7, v11;
	v11 =	vperm.xlane v9, v3  }
0x118: {  	v29 =	vld [tilespmem:s10+$0x160]  }
0x119: {  	v10 =	vadd.f32 v17, v10;
	v24 =	vld [tilespmem:s10+$0x150];
	v9 =	vadd.f32 v9, v11;
	v11 =	vperm.xlane v7, v4  }
0x11a: {  	v23 =	vld [tilespmem:s10+$0x2920]  }
0x11b: {  	v17 =	vld [tilespmem:s10+$0x5120];
	v6 =	vadd.f32 v6, v10;
	v7 =	vadd.f32 v7, v11;
	v11 =	vperm.xlane v9, v4  }
0x11c: {  	v10 =	vadd.f32 v34, v25;
	v13 =	vadd.f32 v26, v13;
	v26 =	vld [tilespmem:s10+$0x5140]  }
0x11d: {  	v8 =	vadd.f32 v12, v8;
	v12 =	vld [tilespmem:s10+$0x5150];
	v9 =	vadd.f32 v9, v11;
	v11 =	vperm.xlane v7, v5  }
0x11e: {  	v24 =	vadd.f32 v27, v24;
	v27 =	vadd.f32 v31, v29;
	v29 =	vld [tilespmem:s10+$0x5160]  }
0x11f: {  	v6 =	vmax.f32 v6, $0.0e+00;
	v31 =	vld [tilespmem:s10+$0x5170];
	v7 =	vadd.f32 v7, v11;
	v11 =	vperm.xlane v9, v5  }
0x120: {  	v10 =	vmax.f32 v10, $0.0e+00;
	v23 =	vadd.f32 v23, v30;
	v30 =	vadd.f32 v33, v32  }
0x121: {  	v8 =	vadd.f32 v26, v8;
	v9 =	vadd.f32 v9, v11;
	v26 =	vmul.f32 $7.812500000e-03, v7  }
0x122: {  	v17 =	vadd.f32 v17, v23;
	v13 =	vadd.f32 v28, v13;
	v28 =	vmul.f32 v6, v6  }
0x123: {  	v7 =	vadd.f32 v29, v27;
	v25 =	vmul.f32 $7.812500000e-03, v9;
	v27 =	vmul.f32 v26, v26  }
0x124: {  	v23 =	vadd.f32 v12, v24;
	v12 =	vmax.f32 v17, $0.0e+00;
	v24 =	vadd.f32 v31, v30  }
0x125: {  	v59 =	vmul.f32 v12, v12;
	v11 =	vmax.f32 v13, $0.0e+00;
	v17 =	vsub.f32 v25, v27  }
0x126: {  	s11 =	simm.s32 $0x100;
	v31 =	vmul.f32 v10, v10;
	v13 =	vmax.f32 v24, $0.0e+00;
	v24 =	vadd.f32 v11, v12  }
0x127: {  	v60 =	vld [tilespmem:s11+$0x2900];
	v61 =	vmul.f32 v11, v11;
	v9 =	vmax.f32 v8, $0.0e+00;
	v17 =	vadd.f32 $9.999999740e-06, v17  }
0x128: {  	v37 =	vld [tilespmem:s11+$0x110];
	v8 =	vmax.f32 v23, $0.0e+00;
	v7 =	vmax.f32 v7, $0.0e+00;
	v23 =	vadd.f32 v10, v6  }
0x129: {  	v39 =	vld [tilespmem:s11+$0x2910];
	v30 =	vadd.f32 v13, v7;
	v35 =	vshra.s32 v17, $0x1;
	v36 =	vmul.f32 $5.000000000e-01, v17  }
0x12a: {  	v42 =	vld [tilespmem:s11+$0x120];
	v38 =	vmul.f32 v8, v8;
	v27 =	vadd.f32 v8, v9;
	v35 =	vsub.s32 $0x5F3759DF, v35  }
0x12b: {  	v63 =	vld [tilespmem:s11+$0x130];
	v40 =	vmul.f32 v7, v7;
	v23 =	vadd.f32 v24, v23;
	v41 =	vmul.f32 v35, v36  }
0x12c: {  	v48 =	vld [tilespmem:s11+$0x2930];
	v24 =	vadd.f32 v30, v27;
	v27 =	vmul.f32 v13, v13;
	v17 =	vmul.f32 v9, v9  }
0x12d: {  	v49 =	vld [tilespmem:s11+$0x140];
	v28 =	vadd.f32 v31, v28;
	v31 =	vadd.f32 v61, v59;
	v62 =	vmul.f32 v35, v41  }
0x12e: {  	v51 =	vld [tilespmem:s11+$0x2950];
	v27 =	vadd.f32 v27, v40;
	v17 =	vadd.f32 v38, v17  }
0x12f: {  	v43 =	vld [tilespmem:s11+$0x160];
	v23 =	vadd.f32 v24, v23;
	v24 =	vsub.f32 $1.500000000e+00, v62  }
0x130: {  	v44 =	vld [tilespmem:s11+$0x170];
	v28 =	vadd.f32 v31, v28;
	v17 =	vadd.f32 v27, v17  }
0x131: {  	v55 =	vld [tilespmem:s11+$0x2970];
	v24 =	vmul.f32 v35, v24  }
0x132: {  	v37 =	vadd.f32 v39, v37;
	v29 =	vld [tilespmem:s11+$0x100];
	v50 =	vperm.xlane v23, v2;
	v28 =	vadd.f32 v17, v28  }
0x133: {  	v34 =	vadd.f32 v48, v63;
	v15 =	vsub.f32 v15, v26;
	v31 =	vld [tilespmem:s11+$0x150];
	v52 =	vmul.f32 v24, v36  }
0x134: {  	v30 =	vld [tilespmem:s11+$0x2920];
	v23 =	vadd.f32 v23, v50;
	v17 =	vsub.f32 v16, v26;
	v53 =	vperm.xlane v28, v2  }
0x135: {  	v27 =	vld [tilespmem:s11+$0x2940];
	v16 =	vsub.f32 v20, v26;
	v20 =	vsub.f32 v19, v26;
	v41 =	vmul.f32 v52, v24  }
0x136: {  	v19 =	vsub.f32 v22, v26;
	v22 =	vld [tilespmem:s11+$0x2960];
	v54 =	vperm.xlane v23, v3;
	v28 =	vadd.f32 v28, v53  }
0x137: {  	v58 =	vld [tilespmem:s11+$0x5120];
	v18 =	vsub.f32 v18, v26;
	v41 =	vsub.f32 $1.500000000e+00, v41  }
0x138: {  	v14 =	vsub.f32 v14, v26;
	v25 =	vld [tilespmem:s11+$0x5100];
	v23 =	vadd.f32 v23, v54;
	v57 =	vperm.xlane v28, v3  }
0x139: {  	v29 =	vadd.f32 v60, v29;
	v60 =	vld [tilespmem:s11+$0x5130];
	v40 =	vadd.f32 v51, v31;
	v59 =	vmul.f32 v41, v24  }
0x13a: {  	v56 =	vld [tilespmem:s11+$0x5110];
	v32 =	vadd.f32 v27, v49;
	v27 =	vperm.xlane v23, v4;
	v35 =	vadd.f32 v28, v57  }
0x13b: {  	v45 =	vld [tilespmem:s11+$0x5140];
	v30 =	vadd.f32 v30, v42;
	v43 =	vadd.f32 v22, v43;
	v22 =	vmul.f32 v59, v36  }
0x13c: {  	v61 =	vld [tilespmem:s11+$0x5150];
	v26 =	vsub.f32 v21, v26;
	v23 =	vadd.f32 v23, v27;
	v31 =	vperm.xlane v35, v4  }
0x13d: {  	v27 =	vadd.f32 v58, v30;
	v28 =	vadd.f32 v25, v29;
	v29 =	vld [tilespmem:s11+$0x5160];
	v22 =	vmul.f32 v22, v59  }
0x13e: {  	v33 =	vld [tilespmem:s11+$0x5170];
	v30 =	vadd.f32 v60, v34;
	v62 =	vperm.xlane v23, v5;
	v35 =	vadd.f32 v35, v31  }
0x13f: {  	v25 =	vadd.f32 v56, v37;
	v22 =	vsub.f32 $1.500000000e+00, v22  }
0x140: {  	v24 =	vadd.f32 v55, v44;
	v23 =	vadd.f32 v23, v62;
	v63 =	vperm.xlane v35, v5  }
0x141: {  	v31 =	vadd.f32 v45, v32;
	v32 =	vadd.f32 v61, v40;
	v22 =	vmul.f32 v22, v59  }
0x142: {  	s12 =	simm.s32 $0x600;
	v21 =	vmul.f32 $7.812500000e-03, v23;
	v34 =	vadd.f32 v29, v43;
	v29 =	vadd.f32 v35, v63  }
.LBB2_5:
0x143: {  	p1 =	sne.s32 s12, $0x9E00;
	v28 =	vmax.f32 v28, $0.0e+00;
	v23 =	vadd.f32 v33, v24;
	v24 =	vmul.f32 v22, v26  }
0x144: {  	v25 =	vmax.f32 v25, $0.0e+00;
	v26 =	vmul.f32 $7.812500000e-03, v29;
	v29 =	vmul.f32 v21, v21  }
0x145: {  	v27 =	vmax.f32 v27, $0.0e+00;
	v30 =	vmax.f32 v30, $0.0e+00;
	v31 =	vmax.f32 v31, $0.0e+00;
	[tilespmem:s1+$0x7970] =	vst v24  }
0x146: {  	v24 =	vmax.f32 v32, $0.0e+00;
	v32 =	vmax.f32 v34, $0.0e+00;
	v26 =	vsub.f32 v26, v29  }
0x147: {  	s13 =	sshra.s32 s12, $0x2;
	v33 =	vadd.f32 v30, v27;
	v23 =	vmax.f32 v23, $0.0e+00;
	v29 =	vadd.f32 v25, v28  }
0x148: {  	v36 =	vmul.f32 v28, v28;
	v35 =	vadd.f32 v24, v31;
	v34 =	vld [tilespmem:s13+$0x5100];
	v26 =	vadd.f32 $9.999999740e-06, v26  }
0x149: {  	v39 =	vmul.f32 v25, v25;
	v40 =	vmul.f32 v27, v27;
	v38 =	vadd.f32 v23, v32;
	v37 =	vld [tilespmem:s13+$0x100]  }
0x14a: {  	v42 =	vmul.f32 v30, v30;
	v41 =	vld [tilespmem:s13+$0x2900];
	v43 =	vshra.s32 v26, $0x1;
	v26 =	vmul.f32 $5.000000000e-01, v26  }
0x14b: {  	v45 =	vmul.f32 v31, v31;
	v46 =	vmul.f32 v24, v24;
	v44 =	vld [tilespmem:s13+$0x110];
	v43 =	vsub.s32 $0x5F3759DF, v43  }
0x14c: {  	v50 =	vsub.f32 v6, v21;
	v6 =	vmovc v28;
	v48 =	vmul.f32 v32, v32;
	v47 =	vld [tilespmem:s13+$0x2910];
	v49 =	vmul.f32 v43, v26  }
0x14d: {  	v29 =	vadd.f32 v33, v29;
	v33 =	vadd.f32 v38, v35;
	v35 =	vmul.f32 v23, v23;
	v28 =	vld [tilespmem:s13+$0x120]  }
0x14e: {  	v36 =	vadd.f32 v39, v36;
	v39 =	vadd.f32 v42, v40;
	v38 =	vld [tilespmem:s13+$0x2920];
	v40 =	vmul.f32 v43, v49  }
0x14f: {  	v45 =	vadd.f32 v46, v45;
	v46 =	vmul.f32 v22, v15;
	v15 =	vmovc v50;
	v35 =	vadd.f32 v35, v48;
	v42 =	vld [tilespmem:s13+$0x130]  }
0x150: {  	v29 =	vadd.f32 v33, v29;
	v48 =	vld [tilespmem:s13+$0x2930];
	v33 =	vsub.f32 $1.500000000e+00, v40;
	v40 =	vmul.f32 v22, v17  }
0x151: {  	v36 =	vadd.f32 v39, v36;
	v39 =	vmul.f32 v22, v16;
	v35 =	vadd.f32 v35, v45;
	v49 =	vld [tilespmem:s13+$0x140];
	[tilespmem:s1+$0x7900] =	vst v46  }
0x152: {  	v16 =	vsub.f32 v12, v21;
	v17 =	vsub.f32 v10, v21;
	v45 =	vld [tilespmem:s13+$0x2940];
	v33 =	vmul.f32 v43, v33;
	[tilespmem:s1+$0x7910] =	vst v40  }
0x153: {  	v52 =	vperm.xlane v29, v2;
	v35 =	vadd.f32 v35, v36;
	v36 =	vsub.f32 v11, v21;
	v40 =	vld [tilespmem:s13+$0x150];
	[tilespmem:s1+$0x7920] =	vst v39  }
0x154: {  	v10 =	vmovc v25;
	v46 =	vsub.f32 v8, v21;
	v43 =	vsub.f32 v9, v21;
	v39 =	vld [tilespmem:s13+$0x2950];
	v53 =	vmul.f32 v33, v26  }
0x155: {  	v51 =	vsub.f32 v7, v21;
	v12 =	vmovc v27;
	v29 =	vadd.f32 v29, v52;
	v50 =	vperm.xlane v35, v2;
	v25 =	vld [tilespmem:s13+$0x160]  }
0x156: {  	v11 =	vmovc v30;
	v8 =	vmovc v24;
	v9 =	vmov v31;
	v27 =	vld [tilespmem:s13+$0x2960];
	v52 =	vmul.f32 v53, v33;
	v53 =	vmul.f32 v22, v18  }
0x157: {  	v20 =	vmul.f32 v22, v20;
	v7 =	vmovc v32;
	v30 =	vadd.f32 v35, v50;
	v31 =	vperm.xlane v29, v3;
	v24 =	vld [tilespmem:s13+$0x170]  }
0x158: {  	v19 =	vmul.f32 v22, v19;
	v32 =	vadd.f32 v41, v37;
	v18 =	vmovc v36;
	v35 =	vld [tilespmem:s13+$0x2970];
	v37 =	vsub.f32 $1.500000000e+00, v52;
	[tilespmem:s1+$0x7930] =	vst v53  }
0x159: {  	v29 =	vadd.f32 v29, v31;
	v31 =	vperm.xlane v30, v3;
	v36 =	vadd.f32 v47, v44;
	v41 =	vld [tilespmem:s13+$0x5110];
	[tilespmem:s1+$0x7940] =	vst v20  }
0x15a: {  	v38 =	vadd.f32 v38, v28;
	v42 =	vadd.f32 v48, v42;
	v44 =	vld [tilespmem:s13+$0x5120];
	v37 =	vmul.f32 v37, v33;
	[tilespmem:s1+$0x7950] =	vst v19  }
0x15b: {  	v30 =	vadd.f32 v30, v31;
	v28 =	vperm.xlane v29, v4;
	v45 =	vadd.f32 v45, v49;
	v20 =	vmovc v43;
	v47 =	vld [tilespmem:s13+$0x5130]  }
0x15c: {  	v39 =	vadd.f32 v39, v40;
	v19 =	vmovc v46;
	v40 =	vadd.f32 v27, v25;
	v31 =	vld [tilespmem:s13+$0x5140];
	v26 =	vmul.f32 v37, v26  }
0x15d: {  	v29 =	vadd.f32 v29, v28;
	v43 =	vld [tilespmem:s13+$0x5150];
	v24 =	vadd.f32 v35, v24;
	v35 =	vperm.xlane v30, v4  }
0x15e: {  	v28 =	vadd.f32 v34, v32;
	v25 =	vadd.f32 v41, v36;
	v34 =	vld [tilespmem:s13+$0x5160];
	v26 =	vmul.f32 v26, v37  }
.Ltmp1:
0x15f: {  	v32 =	vperm.xlane v29, v5;
	v27 =	vadd.f32 v44, v38;
	v33 =	vld [tilespmem:s13+$0x5170];
	v35 =	vadd.f32 v30, v35;
	(pc) =	sbr.rel @p1 .LBB2_5-.Ltmp1, $4  }
0x160: {  	v36 =	vmul.f32 v22, v14;
	v14 =	vmovc v51;
	v30 =	vadd.f32 v47, v42;
	v26 =	vsub.f32 $1.500000000e+00, v26  }
0x161: {  	v38 =	vadd.f32 v29, v32;
	v31 =	vadd.f32 v31, v45;
	v29 =	vperm.xlane v35, v5  }
0x162: {  	v32 =	vadd.f32 v43, v39;
	v22 =	vmul.f32 v26, v37;
	v26 =	vsub.f32 v13, v21;
	[tilespmem:s1+$0x7960] =	vst v36;
	s1 =	smov.u32 s10;
	s10 =	smov.u32 s11;
	s11 =	smov.u32 s13  }
0x163: {  	s12 =	sadd.s32 $0x200, s12;
	v21 =	vmul.f32 $7.812500000e-03, v38;
	v13 =	vmovc v23;
	v34 =	vadd.f32 v34, v40;
	v29 =	vadd.f32 v35, v29  }
0x164: {  	v28 =	vmax.f32 v28, $0.0e+00;
	v33 =	vadd.f32 v33, v24  }
0x165: {  	v35 =	vmax.f32 v25, $0.0e+00;
	v27 =	vmax.f32 v27, $0.0e+00;
	v30 =	vmax.f32 v30, $0.0e+00  }
0x166: {  	v25 =	vmax.f32 v31, $0.0e+00;
	v24 =	vmax.f32 v32, $0.0e+00;
	v23 =	vmax.f32 v34, $0.0e+00  }
0x167: {  	v61 =	vadd.f32 v35, v28;
	v62 =	vadd.f32 v30, v27;
	v63 =	vmul.f32 v28, v28  }
0x168: {  	v36 =	vadd.f32 v24, v25;
	v37 =	vmul.f32 v35, v35;
	v38 =	vmul.f32 v27, v27  }
0x169: {  	v40 =	vmul.f32 v30, v30;
	v41 =	vmul.f32 v25, v25;
	v31 =	vmax.f32 v33, $0.0e+00  }
0x16a: {  	v42 =	vmul.f32 v24, v24;
	v43 =	vmul.f32 v23, v23;
	v39 =	vadd.f32 v31, v23  }
0x16b: {  	v32 =	vadd.f32 v62, v61;
	v45 =	vmul.f32 v31, v31;
	v34 =	vadd.f32 v37, v63  }
0x16c: {  	v46 =	vadd.f32 v40, v38;
	v47 =	vadd.f32 v42, v41  }
0x16d: {  	v44 =	vadd.f32 v39, v36;
	v36 =	vadd.f32 v45, v43  }
0x16e: {  	v48 =	vadd.f32 v46, v34  }
0x16f: {  	v32 =	vadd.f32 v44, v32;
	v49 =	vadd.f32 v36, v47;
	_ =	sdelay $0x1  }
0x170: {  	v33 =	vadd.f32 v49, v48;
	v50 =	vperm.xlane v32, v2;
	_ =	sdelay $0x1  }
0x171: {  	v32 =	vadd.f32 v32, v50;
	v51 =	vperm.xlane v33, v2;
	_ =	sdelay $0x1  }
0x172: {  	v33 =	vadd.f32 v33, v51;
	v52 =	vperm.xlane v32, v3;
	_ =	sdelay $0x1  }
0x173: {  	v32 =	vadd.f32 v32, v52;
	v53 =	vperm.xlane v33, v3;
	_ =	sdelay $0x1  }
0x174: {  	v33 =	vadd.f32 v33, v53;
	v54 =	vperm.xlane v32, v4  }
0x175: {  	v29 =	vmul.f32 $7.812500000e-03, v29;
	v55 =	vmul.f32 v21, v21  }
0x176: {  	v32 =	vadd.f32 v32, v54;
	v56 =	vperm.xlane v33, v4  }
0x177: {  	v29 =	vsub.f32 v29, v55  }
0x178: {  	v33 =	vadd.f32 v33, v56;
	v57 =	vperm.xlane v32, v5  }
0x179: {  	v29 =	vadd.f32 $9.999999740e-06, v29  }
0x17a: {  	v32 =	vadd.f32 v32, v57;
	v58 =	vperm.xlane v33, v5  }
0x17b: {  	v59 =	vshra.s32 v29, $0x1;
	v29 =	vmul.f32 $5.000000000e-01, v29  }
0x17c: {  	v36 =	vsub.s32 $0x5F3759DF, v59;
	v33 =	vadd.f32 v33, v58;
	v32 =	vmul.f32 $7.812500000e-03, v32  }
0x17d: {  	v60 =	vmul.f32 v36, v29  }
0x17e: {  	v33 =	vmul.f32 $7.812500000e-03, v33;
	v61 =	vmul.f32 v32, v32;
	_ =	sdelay $0x1  }
0x17f: {  	v34 =	vmul.f32 v36, v60;
	v33 =	vsub.f32 v33, v61;
	_ =	sdelay $0x1  }
0x180: {  	v34 =	vsub.f32 $1.500000000e+00, v34;
	v33 =	vadd.f32 $9.999999740e-06, v33;
	_ =	sdelay $0x1  }
0x181: {  	v34 =	vmul.f32 v36, v34;
	v62 =	vshra.s32 v33, $0x1;
	v33 =	vmul.f32 $5.000000000e-01, v33  }
0x182: {  	v36 =	vsub.s32 $0x5F3759DF, v62  }
0x183: {  	v63 =	vmul.f32 v34, v29;
	v40 =	vmul.f32 v36, v33;
	_ =	sdelay $0x1  }
0x184: {  	v37 =	vmul.f32 v63, v34;
	v38 =	vmul.f32 v36, v40;
	_ =	sdelay $0x1  }
0x185: {  	v37 =	vsub.f32 $1.500000000e+00, v37;
	v38 =	vsub.f32 $1.500000000e+00, v38;
	_ =	sdelay $0x1  }
0x186: {  	v34 =	vmul.f32 v37, v34;
	v36 =	vmul.f32 v36, v38  }
0x187: {  	v26 =	vmul.f32 v22, v26  }
0x188: {  	v29 =	vmul.f32 v34, v29;
	v41 =	vmul.f32 v36, v33  }
0x189: {  	v15 =	vmul.f32 v22, v15;
	v17 =	vmul.f32 v22, v17  }
0x18a: {  	[tilespmem:s1+$0x7970] =	vst v26;
	v42 =	vmul.f32 v29, v34;
	v43 =	vmul.f32 v41, v36  }
0x18b: {  	v19 =	vmul.f32 v22, v19;
	[tilespmem:s1+$0x7900] =	vst v15  }
0x18c: {  	v14 =	vmul.f32 v22, v14;
	[tilespmem:s1+$0x7910] =	vst v17;
	v46 =	vsub.f32 $1.500000000e+00, v42;
	v47 =	vsub.f32 $1.500000000e+00, v43  }
0x18d: {  	[tilespmem:s1+$0x7950] =	vst v19;
	v45 =	vmul.f32 v22, v18;
	v44 =	vmul.f32 v22, v16  }
0x18e: {  	v13 =	vsub.f32 v13, v21;
	[tilespmem:s1+$0x7960] =	vst v14;
	v49 =	vmul.f32 v46, v34;
	v50 =	vmul.f32 v47, v36  }
0x18f: {  	v6 =	vsub.f32 v6, v21;
	[tilespmem:s1+$0x7930] =	vst v45;
	v48 =	vmul.f32 v22, v20  }
0x190: {  	v10 =	vsub.f32 v10, v21;
	[tilespmem:s1+$0x7920] =	vst v44;
	v13 =	vmul.f32 v49, v13;
	v51 =	vmul.f32 v50, v33  }
0x191: {  	v12 =	vsub.f32 v12, v21;
	[tilespmem:s1+$0x7940] =	vst v48;
	v6 =	vmul.f32 v49, v6  }
0x192: {  	v11 =	vsub.f32 v11, v21;
	v10 =	vmul.f32 v49, v10;
	[tilespmem:s10+$0x7970] =	vst v13;
	v52 =	vmul.f32 v51, v50  }
0x193: {  	v9 =	vsub.f32 v9, v21;
	[tilespmem:s10+$0x7900] =	vst v6;
	v6 =	vmul.f32 v49, v12  }
0x194: {  	v8 =	vsub.f32 v8, v21;
	v53 =	vmul.f32 v49, v11;
	[tilespmem:s10+$0x7910] =	vst v10;
	v54 =	vsub.f32 $1.500000000e+00, v52  }
0x195: {  	v7 =	vsub.f32 v7, v21;
	[tilespmem:s10+$0x7920] =	vst v6;
	v6 =	vmul.f32 v49, v9  }
0x196: {  	v56 =	vsub.f32 v31, v32;
	v8 =	vmul.f32 v49, v8;
	[tilespmem:s10+$0x7930] =	vst v53;
	v55 =	vmul.f32 v54, v50  }
0x197: {  	v57 =	vsub.f32 v28, v32;
	[tilespmem:s10+$0x7940] =	vst v6;
	v6 =	vmul.f32 v49, v7  }
0x198: {  	[tilespmem:s10+$0x7950] =	vst v8;
	v7 =	vsub.f32 v35, v32;
	v58 =	vmul.f32 v55, v56  }
0x199: {  	v59 =	vsub.f32 v27, v32;
	[tilespmem:s10+$0x7960] =	vst v6;
	v6 =	vmul.f32 v55, v57  }
0x19a: {  	v60 =	vsub.f32 v30, v32;
	v7 =	vmul.f32 v55, v7;
	[tilespmem:s11+$0x7970] =	vst v58  }
0x19b: {  	v61 =	vsub.f32 v25, v32;
	[tilespmem:s11+$0x7900] =	vst v6;
	v6 =	vmul.f32 v55, v59  }
0x19c: {  	v62 =	vsub.f32 v24, v32;
	[tilespmem:s11+$0x7910] =	vst v7;
	v7 =	vmul.f32 v55, v60  }
0x19d: {  	v63 =	vsub.f32 v23, v32;
	[tilespmem:s11+$0x7920] =	vst v6;
	v6 =	vmul.f32 v55, v61  }
0x19e: {  	[tilespmem:s11+$0x7930] =	vst v7;
	v7 =	vmul.f32 v55, v62  }
0x19f: {  	[tilespmem:s11+$0x7940] =	vst v6;
	v6 =	vmul.f32 v55, v63  }
0x1a0: {  	[tilespmem:s11+$0x7950] =	vst v7  }
0x1a1: {  	[tilespmem:s11+$0x7960] =	vst v6  }
0x1a2: {  	[spmem:s4] =	stream.indirect.scatter.add.f32 [tilespmem:s28], [sflag:$0x3], $0x80, s20, s21, $0xb8;
	[tilespmem:$0x1EF00] =	vst v63  }
0x1a3: {  	s31 =	sadd.s32 $0x1, s31;
	_ =	swait.ge [sflag:s18], $0x2800  }
0x1a4: {  	p1 =	sne.s32 s31, $0x7D;
	[sflag:s18] =	ssyncset.done $0x0  }
.Ltmp2:
0x1a5: {  	[sflag:s18] =	ssyncadd.s32 $0xFFFFD800;
	(pc) =	sbr.rel @p1 .LBB2_4-.Ltmp2, $4  }
0x1a6: {  	[spmem:s5] =	stream.indirect.scatter.add.f32 [tilespmem:s29], [sflag:$0x3], $0x1, s20, s21, $0xb8;
	[tilespmem:$0x1EF00] =	vst v63  }
0x1a7: {  	_ =	swait.ge [sflag:s18], $0x50  }
0x1a8: {  	[sflag:s18] =	ssyncset.done $0x0  }
0x1a9: {  	[sflag:s18] =	ssyncadd.s32 $0xFFFFFFB0  }
0x1aa: {  	[bflag:$0x0] =	sbarrier.arrive $0xFFFF  }
0x1ab: {  	s1 =	sshrl.u32 @!p0 s4, $0x3;
	s10 =	simm.s32 @!p0 $0x1C03;
	s11 =	rddreg [dreg:$0x10]  }
0x1ac: {  	[hbm:s11], [sflag:s10] =	dma.local @!p0 [spmem:s1], $0x27100  }
0x1ad: {  	s1 =	simm.s32 @!p0 $0x3  }
0x1ae: {  	s12 =	simm.s32 @!p0 $0x1;
	_ =	swait.ge @!p0 [sflag:s1], $0x27100  }
0x1af: {  	s13 =	simm.s32 @!p0 $0x20;
	s30 =	simm.s32 @!p0 $0x10;
	[sflag:s1] =	ssyncset.done @!p0 $0x0  }
0x1b0: {  	s11 =	sshrl.u32 @!p0 s5, $0x3;
	s31 =	rddreg [dreg:$0x14];
	[sflag:s1] =	ssyncadd.s32 @!p0 $0xFFFD8F00  }
0x1b1: {  	[hbm:s31@s13], [sflag:s10] =	dma.strided @!p0 [spmem:s11@s30], $0x500, s12, $0x10   }
0x1b2: {  	_ =	swait.ge @!p0 [sflag:s1], $0x500  }
0x1b3: {  	s6 =	sadd.s32 $0x1, s6;
	s31 =	rddreg [dreg:$0x15]  }
0x1b4: {  	p1 =	sne.s32 s6, s31  }
.Ltmp3:
0x1b5: {  	_ = 	snop;
	(pc) =	sbr.rel @p1 .LBB2_1-.Ltmp3, $3  }
0x1b6: {  	_ =	sdelay $0x1  }
0x1b7: {  	[sflag:s1] =	ssyncset.done @!p0 $0x0  }
0x1b8: {  	[sflag:s1] =	ssyncadd.s32 @!p0 $0xFFFFFB00  }
0x1b9: {  	_ =	sfence.sel $0x180000  }
0x1ba: {  	[bflag:$0x0] =	sbarrier.arrive $0xFFFF  }
0x1bb: {  	_ =	strace $0x90000047  }
0x1bc: {  	[bflag:$0x2] =	sbarrier.arrive $0xFFFF  }
0x1bd: {  	s0 =	rddreg [dreg:$0x6]  }
0x1be: {  	s0 =	sadd.s32 @!p0 $0x100000, s0  }
0x1bf: {  	[sflag:s0] =	ssyncadd.tile.s32 @!p0 $0x1;
	_ =	shalt  }
.Lfunc_end2:
_tile_overlayer_lowered:
.L_overlay_start_2:
0x1c0: {  	(tag) =	ssettag $0x2  }
0x1c1: {  	s0 =	rddreg [dreg:$0x0];
	s2 =	stileid.u32  }
0x1c2: {  	s1 =	rddreg [dreg:$0x1];
	p0 =	sne.s32 s2, $0x0  }
0x1c3: {  	s3 =	rddreg [dreg:$0x2];
	[bflag:$0x3] =	sbarrier.arrive $0xFFFF;
	s2 =	simm.s32 @!p0 $0x1C03  }
0x1c4: {  	[timem:s3], [sflag:s2] =	dma.local @!p0 [hbm:s0], s1  }
0x1c5: {  	s0 =	simm.s32 @!p0 $0x3  }
0x1c6: {  	_ =	swait.ge @!p0 [sflag:s0], s1  }
0x1c7: {  	s1 =	ssub.s32 @!p0 $0x0, s1;
	[sflag:s0] =	ssyncset.done @!p0 $0x0  }
0x1c8: {  	[sflag:s0] =	ssyncadd.s32 @!p0 s1  }
0x1c9: {  	[bflag:$0x3] =	sbarrier.arrive $0xFFFF  }
0x1ca: {  	_ =	shalt  }

</sc_bundles>
